<compile_context>
chip_gen: v7x
topology: tpu7x:2x2x1
jax: 0.10.2.dev20260603
libtpu: 0.0.44.dev20260713+nightly
codegen_flags: <defaults>
</compile_context>

<pallas_src>
import functools

import jax
import jax.numpy as jnp
from jax import lax
from jax.experimental import pallas as pl
from jax.experimental.pallas import tpu as pltpu
from jax.experimental.pallas import tpu_sc as plsc

_NC, _NS, _L = 2, 16, 16


def _make_sc_add(nb, seq, d):
    nw = _NC * _NS
    pos_per_w = seq // nw
    c_rows = 16
    nchunk = pos_per_w // c_rows
    nring = 3

    mesh = plsc.VectorSubcoreMesh(core_axis_name="c", subcore_axis_name="s")

    def body(x_hbm, pos_hbm, out_hbm, posb, xb, sx, so, spos):
        wid = lax.axis_index("s") * _NC + lax.axis_index("c")
        wbase = wid * pos_per_w
        pairs = [(b, k) for b in range(nb) for k in range(nchunk)]

        def start_x(t):
            b, k = pairs[t]
            row = b * seq + wbase + k * c_rows
            bb = t % nring
            return pltpu.async_copy(x_hbm.at[pl.ds(row, c_rows), :], xb[bb], sx[bb])

        def start_pos(k):
            return pltpu.async_copy(
                pos_hbm.at[pl.ds(wbase + k * c_rows, c_rows), :], posb[k], spos[k]
            )

        hpos = [None] * nchunk
        hpos[0] = start_pos(0)
        hx = [None] * nring
        hout = [None] * nring
        hx[0] = start_x(0)
        hpos[1] = start_pos(1)
        hx[1] = start_x(1)
        for k in range(2, nchunk):
            hpos[k] = start_pos(k)
        for t, (b, k) in enumerate(pairs):
            bb = t % nring
            if b == 0:
                hpos[k].wait()
            hx[bb].wait()

            @plsc.parallel_loop(0, c_rows)
            def _(r):
                @plsc.parallel_loop(0, d, step=_L, unroll=8)
                def _(i):
                    plsc.addupdate(
                        xb[bb].at[r, pl.ds(i, _L)],
                        posb[k][r, pl.ds(i, _L)],
                    )

            row = b * seq + wbase + k * c_rows
            hout[bb] = pltpu.async_copy(xb[bb], out_hbm.at[pl.ds(row, c_rows), :], so[bb])
            if t + 2 < len(pairs):
                bn = (t + 2) % nring
                if hout[bn] is not None:
                    hout[bn].wait()
                hx[bn] = start_x(t + 2)
        for h in hout:
            if h is not None:
                h.wait()

    return pl.kernel(
        body,
        out_type=jax.ShapeDtypeStruct((nb * seq, d), jnp.float32),
        mesh=mesh,
        scratch_types=[
            [pltpu.VMEM((c_rows, d), jnp.float32) for _ in range(nchunk)],
            [pltpu.VMEM((c_rows, d), jnp.float32) for _ in range(nring)],
            [pltpu.SemaphoreType.DMA for _ in range(nring)],
            [pltpu.SemaphoreType.DMA for _ in range(nring)],
            [pltpu.SemaphoreType.DMA for _ in range(nchunk)],
        ],
    )


def kernel(x, pos_embedding):
    B, S, D = x.shape
    x2 = x.reshape(B * S, D)
    out = _make_sc_add(B, S, D)(x2, pos_embedding[:S])
    return out.reshape(B, S, D)

# --- scband reference (transcript-rebuilt; emitter-appended) ---
"""Pipeline reference for scband-learnable-positional-embedding-85255100826269 (READ-ONLY COPY).

The authoritative reference and input builder live on the scoring server;
editing this copy changes nothing except your own understanding.
"""

import jax, jax.numpy as jnp
import numpy as np

D_MODEL = 1024
MAX_LEN = 2048
BATCH = 4
SEQ = 2048

def setup_inputs(seed: int = 0) -> dict:
    key = jax.random.key(seed)
    k_x, k_emb = jax.random.split(key)
    x = jax.random.normal(k_x, (BATCH, SEQ, D_MODEL), dtype=jnp.float32)
    # nn.Embedding default init: N(0, 1)
    pos_embedding = jax.random.normal(k_emb, (MAX_LEN, D_MODEL), dtype=jnp.float32)
    return {"x": x, "pos_embedding": pos_embedding}

def reference(x, pos_embedding):
    seq_len = x.shape[1]
    positions = jnp.arange(0, seq_len)[None, :]  # [1, S]
    pos_embed = jnp.take(pos_embedding, positions, axis=0)  # [1, S, d_model]
    return x + pos_embed

if __name__ == "__main__":
    import jax
    _d = setup_inputs()
    print(jax.jit(kernel)(*tuple(_d.values())))

</pallas_src>

<mosaic_0001>
#map = affine_map<(d0, d1) -> (0, 0)>
module attributes {stable_mosaic.version = 14 : i64} {
  func.func @body(%arg0: i32, %arg1: i32, %arg2: memref<8192x1024xf32, #tpu.memory_space<hbm>>, %arg3: memref<2048x1024xf32, #tpu.memory_space<hbm>>, %arg4: memref<8192x1024xf32, #tpu.memory_space<hbm>>, %arg5: memref<16x1024xf32, #tpu.memory_space<vmem>>, %arg6: memref<16x1024xf32, #tpu.memory_space<vmem>>, %arg7: memref<16x1024xf32, #tpu.memory_space<vmem>>, %arg8: memref<16x1024xf32, #tpu.memory_space<vmem>>, %arg9: memref<16x1024xf32, #tpu.memory_space<vmem>>, %arg10: memref<16x1024xf32, #tpu.memory_space<vmem>>, %arg11: memref<16x1024xf32, #tpu.memory_space<vmem>>, %arg12: memref<!tpu.dma_semaphore, #tpu.memory_space<semaphore_mem>>, %arg13: memref<!tpu.dma_semaphore, #tpu.memory_space<semaphore_mem>>, %arg14: memref<!tpu.dma_semaphore, #tpu.memory_space<semaphore_mem>>, %arg15: memref<!tpu.dma_semaphore, #tpu.memory_space<semaphore_mem>>, %arg16: memref<!tpu.dma_semaphore, #tpu.memory_space<semaphore_mem>>, %arg17: memref<!tpu.dma_semaphore, #tpu.memory_space<semaphore_mem>>, %arg18: memref<!tpu.dma_semaphore, #tpu.memory_space<semaphore_mem>>, %arg19: memref<!tpu.dma_semaphore, #tpu.memory_space<semaphore_mem>>, %arg20: memref<!tpu.dma_semaphore, #tpu.memory_space<semaphore_mem>>, %arg21: memref<!tpu.dma_semaphore, #tpu.memory_space<semaphore_mem>>) attributes {dimension_semantics = [#tpu.dimension_semantics<core_parallel>, #tpu.dimension_semantics<subcore_parallel>], iteration_bounds = array<i64: 2, 16>, scalar_prefetch = 0 : i64, scratch_operands = 17 : i64, tpu.core_type = #tpu.core_type<sc_vector_subcore>, window_params = [{transform_indices = #map}, {transform_indices = #map}, {transform_indices = #map}]} {
    %mul3A = arith.constant 2 : i32
    %mul3A_0 = arith.muli %arg1, %mul3A : i32
    %add3A = arith.addi %mul3A_0, %arg0 : i32
    %mul3A_1 = arith.constant 64 : i32
    %mul3A_2 = arith.muli %add3A, %mul3A_1 : i32
    %add3A_3 = arith.constant 0 : i32
    %add3A_4 = arith.addi %mul3A_2, %add3A_3 : i32
    %dma_start3A = arith.constant 0 : i32
    %dma_start3A_5 = tpu.memref_slice %arg3[%add3A_4, %dma_start3A] : memref<2048x1024xf32, #tpu.memory_space<hbm>> -> memref<16x1024xf32, #tpu.memory_space<hbm>>
    %dma_start3A_6 = arith.constant 0 : i32
    %dma_start3A_7 = tpu.memref_slice %arg3[%add3A_4, %dma_start3A_6] : memref<2048x1024xf32, #tpu.memory_space<hbm>> -> memref<16x1024xf32, #tpu.memory_space<hbm>>
    tpu.enqueue_dma source(%dma_start3A_7 : memref<16x1024xf32, #tpu.memory_space<hbm>>) target(%arg5 : memref<16x1024xf32, #tpu.memory_space<vmem>>) target_semaphore(%arg18 : memref<!tpu.dma_semaphore, #tpu.memory_space<semaphore_mem>>)
    %add3A_8 = arith.constant 0 : i32
    %add3A_9 = arith.addi %add3A_8, %mul3A_2 : i32
    %add3A_10 = arith.constant 0 : i32
    %add3A_11 = arith.addi %add3A_9, %add3A_10 : i32
    %dma_start3A_12 = arith.constant 0 : i32
    %dma_start3A_13 = tpu.memref_slice %arg2[%add3A_11, %dma_start3A_12] : memref<8192x1024xf32, #tpu.memory_space<hbm>> -> memref<16x1024xf32, #tpu.memory_space<hbm>>
    %dma_start3A_14 = arith.constant 0 : i32
    %dma_start3A_15 = tpu.memref_slice %arg2[%add3A_11, %dma_start3A_14] : memref<8192x1024xf32, #tpu.memory_space<hbm>> -> memref<16x1024xf32, #tpu.memory_space<hbm>>
    tpu.enqueue_dma source(%dma_start3A_15 : memref<16x1024xf32, #tpu.memory_space<hbm>>) target(%arg9 : memref<16x1024xf32, #tpu.memory_space<vmem>>) target_semaphore(%arg12 : memref<!tpu.dma_semaphore, #tpu.memory_space<semaphore_mem>>)
    %add3A_16 = arith.constant 16 : i32
    %add3A_17 = arith.addi %mul3A_2, %add3A_16 : i32
    %dma_start3A_18 = arith.constant 0 : i32
    %dma_start3A_19 = tpu.memref_slice %arg3[%add3A_17, %dma_start3A_18] : memref<2048x1024xf32, #tpu.memory_space<hbm>> -> memref<16x1024xf32, #tpu.memory_space<hbm>>
    %dma_start3A_20 = arith.constant 0 : i32
    %dma_start3A_21 = tpu.memref_slice %arg3[%add3A_17, %dma_start3A_20] : memref<2048x1024xf32, #tpu.memory_space<hbm>> -> memref<16x1024xf32, #tpu.memory_space<hbm>>
    tpu.enqueue_dma source(%dma_start3A_21 : memref<16x1024xf32, #tpu.memory_space<hbm>>) target(%arg6 : memref<16x1024xf32, #tpu.memory_space<vmem>>) target_semaphore(%arg19 : memref<!tpu.dma_semaphore, #tpu.memory_space<semaphore_mem>>)
    %add3A_22 = arith.constant 0 : i32
    %add3A_23 = arith.addi %add3A_22, %mul3A_2 : i32
    %add3A_24 = arith.constant 16 : i32
    %add3A_25 = arith.addi %add3A_23, %add3A_24 : i32
    %dma_start3A_26 = arith.constant 0 : i32
    %dma_start3A_27 = tpu.memref_slice %arg2[%add3A_25, %dma_start3A_26] : memref<8192x1024xf32, #tpu.memory_space<hbm>> -> memref<16x1024xf32, #tpu.memory_space<hbm>>
    %dma_start3A_28 = arith.constant 0 : i32
    %dma_start3A_29 = tpu.memref_slice %arg2[%add3A_25, %dma_start3A_28] : memref<8192x1024xf32, #tpu.memory_space<hbm>> -> memref<16x1024xf32, #tpu.memory_space<hbm>>
    tpu.enqueue_dma source(%dma_start3A_29 : memref<16x1024xf32, #tpu.memory_space<hbm>>) target(%arg10 : memref<16x1024xf32, #tpu.memory_space<vmem>>) target_semaphore(%arg13 : memref<!tpu.dma_semaphore, #tpu.memory_space<semaphore_mem>>)
    %add3A_30 = arith.constant 32 : i32
    %add3A_31 = arith.addi %mul3A_2, %add3A_30 : i32
    %dma_start3A_32 = arith.constant 0 : i32
    %dma_start3A_33 = tpu.memref_slice %arg3[%add3A_31, %dma_start3A_32] : memref<2048x1024xf32, #tpu.memory_space<hbm>> -> memref<16x1024xf32, #tpu.memory_space<hbm>>
    %dma_start3A_34 = arith.constant 0 : i32
    %dma_start3A_35 = tpu.memref_slice %arg3[%add3A_31, %dma_start3A_34] : memref<2048x1024xf32, #tpu.memory_space<hbm>> -> memref<16x1024xf32, #tpu.memory_space<hbm>>
    tpu.enqueue_dma source(%dma_start3A_35 : memref<16x1024xf32, #tpu.memory_space<hbm>>) target(%arg7 : memref<16x1024xf32, #tpu.memory_space<vmem>>) target_semaphore(%arg20 : memref<!tpu.dma_semaphore, #tpu.memory_space<semaphore_mem>>)
    %add3A_36 = arith.constant 48 : i32
    %add3A_37 = arith.addi %mul3A_2, %add3A_36 : i32
    %dma_start3A_38 = arith.constant 0 : i32
    %dma_start3A_39 = tpu.memref_slice %arg3[%add3A_37, %dma_start3A_38] : memref<2048x1024xf32, #tpu.memory_space<hbm>> -> memref<16x1024xf32, #tpu.memory_space<hbm>>
    %dma_start3A_40 = arith.constant 0 : i32
    %dma_start3A_41 = tpu.memref_slice %arg3[%add3A_37, %dma_start3A_40] : memref<2048x1024xf32, #tpu.memory_space<hbm>> -> memref<16x1024xf32, #tpu.memory_space<hbm>>
    tpu.enqueue_dma source(%dma_start3A_41 : memref<16x1024xf32, #tpu.memory_space<hbm>>) target(%arg8 : memref<16x1024xf32, #tpu.memory_space<vmem>>) target_semaphore(%arg21 : memref<!tpu.dma_semaphore, #tpu.memory_space<semaphore_mem>>)
    %dma_wait3A = arith.constant 0 : i32
    %dma_wait3A_42 = tpu.memref_slice %arg3[%add3A_4, %dma_wait3A] : memref<2048x1024xf32, #tpu.memory_space<hbm>> -> memref<16x1024xf32, #tpu.memory_space<hbm>>
    %dma_wait3A_43 = arith.constant 0 : i32
    %dma_wait3A_44 = tpu.memref_slice %arg3[%add3A_4, %dma_wait3A_43] : memref<2048x1024xf32, #tpu.memory_space<hbm>> -> memref<16x1024xf32, #tpu.memory_space<hbm>>
    tpu.wait_dma2 semaphore(%arg18 : memref<!tpu.dma_semaphore, #tpu.memory_space<semaphore_mem>>) src(%dma_wait3A_44 : memref<16x1024xf32, #tpu.memory_space<hbm>>) dst(%arg5 : memref<16x1024xf32, #tpu.memory_space<vmem>>)
    %dma_wait3A_45 = arith.constant 0 : i32
    %dma_wait3A_46 = tpu.memref_slice %arg2[%add3A_11, %dma_wait3A_45] : memref<8192x1024xf32, #tpu.memory_space<hbm>> -> memref<16x1024xf32, #tpu.memory_space<hbm>>
    %dma_wait3A_47 = arith.constant 0 : i32
    %dma_wait3A_48 = tpu.memref_slice %arg2[%add3A_11, %dma_wait3A_47] : memref<8192x1024xf32, #tpu.memory_space<hbm>> -> memref<16x1024xf32, #tpu.memory_space<hbm>>
    tpu.wait_dma2 semaphore(%arg12 : memref<!tpu.dma_semaphore, #tpu.memory_space<semaphore_mem>>) src(%dma_wait3A_48 : memref<16x1024xf32, #tpu.memory_space<hbm>>) dst(%arg9 : memref<16x1024xf32, #tpu.memory_space<vmem>>)
    %parallel_loop3A = arith.constant 0 : i32
    %parallel_loop3A_49 = arith.constant 16 : i32
    %parallel_loop3A_50 = arith.constant 1 : i32
    scf.for %parallel_loop3A_472 = %parallel_loop3A to %parallel_loop3A_49 step %parallel_loop3A_50  : i32 {
      %parallel_loop3A_473 = arith.constant 0 : i32
      %parallel_loop3A_474 = arith.constant 1024 : i32
      %parallel_loop3A_475 = arith.constant 16 : i32
      scf.for %parallel_loop3A_476 = %parallel_loop3A_473 to %parallel_loop3A_474 step %parallel_loop3A_475  : i32 {
        %parallel_loop3A_477 = arith.index_cast %parallel_loop3A_472 : i32 to index
        %parallel_loop3A_478 = arith.index_cast %parallel_loop3A_476 : i32 to index
        %parallel_loop3A_479 = tpu.vector_load %arg5[%parallel_loop3A_477, %parallel_loop3A_478] {strides = array<i32>} : memref<16x1024xf32, #tpu.memory_space<vmem>>, vector<1x16xf32>,
        %parallel_loop3A_480 = vector.shape_cast %parallel_loop3A_479 : vector<1x16xf32> to vector<16xf32>
        %parallel_loop3A_481 = arith.index_cast %parallel_loop3A_472 : i32 to index
        %parallel_loop3A_482 = arith.index_cast %parallel_loop3A_476 : i32 to index
        %parallel_loop3A_483 = tpu.vector_load %arg9[%parallel_loop3A_481, %parallel_loop3A_482] {strides = array<i32>} : memref<16x1024xf32, #tpu.memory_space<vmem>>, vector<1x16xf32>,
        %parallel_loop3A_484 = vector.shape_cast %parallel_loop3A_483 : vector<1x16xf32> to vector<16xf32>
        %parallel_loop3A_485 = vector.shape_cast %parallel_loop3A_480 : vector<16xf32> to vector<1x16xf32>
        tpu.vector_store %arg9[%parallel_loop3A_481, %parallel_loop3A_482], %parallel_loop3A_485 {add = true, strides = array<i32>} : memref<16x1024xf32, #tpu.memory_space<vmem>>, vector<1x16xf32>,
      } {sc.loop_unroll_factor = 8 : i64, sc.parallel_access}
    } {sc.loop_unroll_factor = 1 : i64, sc.parallel_access}
    %add3A_51 = arith.constant 0 : i32
    %add3A_52 = arith.addi %add3A_51, %mul3A_2 : i32
    %add3A_53 = arith.constant 0 : i32
    %add3A_54 = arith.addi %add3A_52, %add3A_53 : i32
    %dma_start3A_55 = arith.constant 0 : i32
    %dma_start3A_56 = tpu.memref_slice %arg4[%add3A_54, %dma_start3A_55] : memref<8192x1024xf32, #tpu.memory_space<hbm>> -> memref<16x1024xf32, #tpu.memory_space<hbm>>
    %dma_start3A_57 = arith.constant 0 : i32
    %dma_start3A_58 = tpu.memref_slice %arg4[%add3A_54, %dma_start3A_57] : memref<8192x1024xf32, #tpu.memory_space<hbm>> -> memref<16x1024xf32, #tpu.memory_space<hbm>>
    tpu.enqueue_dma source(%arg9 : memref<16x1024xf32, #tpu.memory_space<vmem>>) target(%dma_start3A_58 : memref<16x1024xf32, #tpu.memory_space<hbm>>) target_semaphore(%arg15 : memref<!tpu.dma_semaphore, #tpu.memory_space<semaphore_mem>>)
    %add3A_59 = arith.constant 0 : i32
    %add3A_60 = arith.addi %add3A_59, %mul3A_2 : i32
    %add3A_61 = arith.constant 32 : i32
    %add3A_62 = arith.addi %add3A_60, %add3A_61 : i32
    %dma_start3A_63 = arith.constant 0 : i32
    %dma_start3A_64 = tpu.memref_slice %arg2[%add3A_62, %dma_start3A_63] : memref<8192x1024xf32, #tpu.memory_space<hbm>> -> memref<16x1024xf32, #tpu.memory_space<hbm>>
    %dma_start3A_65 = arith.constant 0 : i32
    %dma_start3A_66 = tpu.memref_slice %arg2[%add3A_62, %dma_start3A_65] : memref<8192x1024xf32, #tpu.memory_space<hbm>> -> memref<16x1024xf32, #tpu.memory_space<hbm>>
    tpu.enqueue_dma source(%dma_start3A_66 : memref<16x1024xf32, #tpu.memory_space<hbm>>) target(%arg11 : memref<16x1024xf32, #tpu.memory_space<vmem>>) target_semaphore(%arg14 : memref<!tpu.dma_semaphore, #tpu.memory_space<semaphore_mem>>)
    %dma_wait3A_67 = arith.constant 0 : i32
    %dma_wait3A_68 = tpu.memref_slice %arg3[%add3A_17, %dma_wait3A_67] : memref<2048x1024xf32, #tpu.memory_space<hbm>> -> memref<16x1024xf32, #tpu.memory_space<hbm>>
    %dma_wait3A_69 = arith.constant 0 : i32
    %dma_wait3A_70 = tpu.memref_slice %arg3[%add3A_17, %dma_wait3A_69] : memref<2048x1024xf32, #tpu.memory_space<hbm>> -> memref<16x1024xf32, #tpu.memory_space<hbm>>
    tpu.wait_dma2 semaphore(%arg19 : memref<!tpu.dma_semaphore, #tpu.memory_space<semaphore_mem>>) src(%dma_wait3A_70 : memref<16x1024xf32, #tpu.memory_space<hbm>>) dst(%arg6 : memref<16x1024xf32, #tpu.memory_space<vmem>>)
    %dma_wait3A_71 = arith.constant 0 : i32
    %dma_wait3A_72 = tpu.memref_slice %arg2[%add3A_25, %dma_wait3A_71] : memref<8192x1024xf32, #tpu.memory_space<hbm>> -> memref<16x1024xf32, #tpu.memory_space<hbm>>
    %dma_wait3A_73 = arith.constant 0 : i32
    %dma_wait3A_74 = tpu.memref_slice %arg2[%add3A_25, %dma_wait3A_73] : memref<8192x1024xf32, #tpu.memory_space<hbm>> -> memref<16x1024xf32, #tpu.memory_space<hbm>>
    tpu.wait_dma2 semaphore(%arg13 : memref<!tpu.dma_semaphore, #tpu.memory_space<semaphore_mem>>) src(%dma_wait3A_74 : memref<16x1024xf32, #tpu.memory_space<hbm>>) dst(%arg10 : memref<16x1024xf32, #tpu.memory_space<vmem>>)
    %parallel_loop3A_75 = arith.constant 0 : i32
    %parallel_loop3A_76 = arith.constant 16 : i32
    %parallel_loop3A_77 = arith.constant 1 : i32
    scf.for %parallel_loop3A_472 = %parallel_loop3A_75 to %parallel_loop3A_76 step %parallel_loop3A_77  : i32 {
      %parallel_loop3A_473 = arith.constant 0 : i32
      %parallel_loop3A_474 = arith.constant 1024 : i32
      %parallel_loop3A_475 = arith.constant 16 : i32
      scf.for %parallel_loop3A_476 = %parallel_loop3A_473 to %parallel_loop3A_474 step %parallel_loop3A_475  : i32 {
        %parallel_loop3A_477 = arith.index_cast %parallel_loop3A_472 : i32 to index
        %parallel_loop3A_478 = arith.index_cast %parallel_loop3A_476 : i32 to index
        %parallel_loop3A_479 = tpu.vector_load %arg6[%parallel_loop3A_477, %parallel_loop3A_478] {strides = array<i32>} : memref<16x1024xf32, #tpu.memory_space<vmem>>, vector<1x16xf32>,
        %parallel_loop3A_480 = vector.shape_cast %parallel_loop3A_479 : vector<1x16xf32> to vector<16xf32>
        %parallel_loop3A_481 = arith.index_cast %parallel_loop3A_472 : i32 to index
        %parallel_loop3A_482 = arith.index_cast %parallel_loop3A_476 : i32 to index
        %parallel_loop3A_483 = tpu.vector_load %arg10[%parallel_loop3A_481, %parallel_loop3A_482] {strides = array<i32>} : memref<16x1024xf32, #tpu.memory_space<vmem>>, vector<1x16xf32>,
        %parallel_loop3A_484 = vector.shape_cast %parallel_loop3A_483 : vector<1x16xf32> to vector<16xf32>
        %parallel_loop3A_485 = vector.shape_cast %parallel_loop3A_480 : vector<16xf32> to vector<1x16xf32>
        tpu.vector_store %arg10[%parallel_loop3A_481, %parallel_loop3A_482], %parallel_loop3A_485 {add = true, strides = array<i32>} : memref<16x1024xf32, #tpu.memory_space<vmem>>, vector<1x16xf32>,
      } {sc.loop_unroll_factor = 8 : i64, sc.parallel_access}
    } {sc.loop_unroll_factor = 1 : i64, sc.parallel_access}
    %add3A_78 = arith.constant 0 : i32
    %add3A_79 = arith.addi %add3A_78, %mul3A_2 : i32
    %add3A_80 = arith.constant 16 : i32
    %add3A_81 = arith.addi %add3A_79, %add3A_80 : i32
    %dma_start3A_82 = arith.constant 0 : i32
    %dma_start3A_83 = tpu.memref_slice %arg4[%add3A_81, %dma_start3A_82] : memref<8192x1024xf32, #tpu.memory_space<hbm>> -> memref<16x1024xf32, #tpu.memory_space<hbm>>
    %dma_start3A_84 = arith.constant 0 : i32
    %dma_start3A_85 = tpu.memref_slice %arg4[%add3A_81, %dma_start3A_84] : memref<8192x1024xf32, #tpu.memory_space<hbm>> -> memref<16x1024xf32, #tpu.memory_space<hbm>>
    tpu.enqueue_dma source(%arg10 : memref<16x1024xf32, #tpu.memory_space<vmem>>) target(%dma_start3A_85 : memref<16x1024xf32, #tpu.memory_space<hbm>>) target_semaphore(%arg16 : memref<!tpu.dma_semaphore, #tpu.memory_space<semaphore_mem>>)
    %dma_wait3A_86 = arith.constant 0 : i32
    %dma_wait3A_87 = tpu.memref_slice %arg4[%add3A_54, %dma_wait3A_86] : memref<8192x1024xf32, #tpu.memory_space<hbm>> -> memref<16x1024xf32, #tpu.memory_space<hbm>>
    %dma_wait3A_88 = arith.constant 0 : i32
    %dma_wait3A_89 = tpu.memref_slice %arg4[%add3A_54, %dma_wait3A_88] : memref<8192x1024xf32, #tpu.memory_space<hbm>> -> memref<16x1024xf32, #tpu.memory_space<hbm>>
    tpu.wait_dma2 semaphore(%arg15 : memref<!tpu.dma_semaphore, #tpu.memory_space<semaphore_mem>>) src(%arg9 : memref<16x1024xf32, #tpu.memory_space<vmem>>) dst(%dma_wait3A_89 : memref<16x1024xf32, #tpu.memory_space<hbm>>)
    %add3A_90 = arith.constant 0 : i32
    %add3A_91 = arith.addi %add3A_90, %mul3A_2 : i32
    %add3A_92 = arith.constant 48 : i32
    %add3A_93 = arith.addi %add3A_91, %add3A_92 : i32
    %dma_start3A_94 = arith.constant 0 : i32
    %dma_start3A_95 = tpu.memref_slice %arg2[%add3A_93, %dma_start3A_94] : memref<8192x1024xf32, #tpu.memory_space<hbm>> -> memref<16x1024xf32, #tpu.memory_space<hbm>>
    %dma_start3A_96 = arith.constant 0 : i32
    %dma_start3A_97 = tpu.memref_slice %arg2[%add3A_93, %dma_start3A_96] : memref<8192x1024xf32, #tpu.memory_space<hbm>> -> memref<16x1024xf32, #tpu.memory_space<hbm>>
    tpu.enqueue_dma source(%dma_start3A_97 : memref<16x1024xf32, #tpu.memory_space<hbm>>) target(%arg9 : memref<16x1024xf32, #tpu.memory_space<vmem>>) target_semaphore(%arg12 : memref<!tpu.dma_semaphore, #tpu.memory_space<semaphore_mem>>)
    %dma_wait3A_98 = arith.constant 0 : i32
    %dma_wait3A_99 = tpu.memref_slice %arg3[%add3A_31, %dma_wait3A_98] : memref<2048x1024xf32, #tpu.memory_space<hbm>> -> memref<16x1024xf32, #tpu.memory_space<hbm>>
    %dma_wait3A_100 = arith.constant 0 : i32
    %dma_wait3A_101 = tpu.memref_slice %arg3[%add3A_31, %dma_wait3A_100] : memref<2048x1024xf32, #tpu.memory_space<hbm>> -> memref<16x1024xf32, #tpu.memory_space<hbm>>
    tpu.wait_dma2 semaphore(%arg20 : memref<!tpu.dma_semaphore, #tpu.memory_space<semaphore_mem>>) src(%dma_wait3A_101 : memref<16x1024xf32, #tpu.memory_space<hbm>>) dst(%arg7 : memref<16x1024xf32, #tpu.memory_space<vmem>>)
    %dma_wait3A_102 = arith.constant 0 : i32
    %dma_wait3A_103 = tpu.memref_slice %arg2[%add3A_62, %dma_wait3A_102] : memref<8192x1024xf32, #tpu.memory_space<hbm>> -> memref<16x1024xf32, #tpu.memory_space<hbm>>
    %dma_wait3A_104 = arith.constant 0 : i32
    %dma_wait3A_105 = tpu.memref_slice %arg2[%add3A_62, %dma_wait3A_104] : memref<8192x1024xf32, #tpu.memory_space<hbm>> -> memref<16x1024xf32, #tpu.memory_space<hbm>>
    tpu.wait_dma2 semaphore(%arg14 : memref<!tpu.dma_semaphore, #tpu.memory_space<semaphore_mem>>) src(%dma_wait3A_105 : memref<16x1024xf32, #tpu.memory_space<hbm>>) dst(%arg11 : memref<16x1024xf32, #tpu.memory_space<vmem>>)
    %parallel_loop3A_106 = arith.constant 0 : i32
    %parallel_loop3A_107 = arith.constant 16 : i32
    %parallel_loop3A_108 = arith.constant 1 : i32
    scf.for %parallel_loop3A_472 = %parallel_loop3A_106 to %parallel_loop3A_107 step %parallel_loop3A_108  : i32 {
      %parallel_loop3A_473 = arith.constant 0 : i32
      %parallel_loop3A_474 = arith.constant 1024 : i32
      %parallel_loop3A_475 = arith.constant 16 : i32
      scf.for %parallel_loop3A_476 = %parallel_loop3A_473 to %parallel_loop3A_474 step %parallel_loop3A_475  : i32 {
        %parallel_loop3A_477 = arith.index_cast %parallel_loop3A_472 : i32 to index
        %parallel_loop3A_478 = arith.index_cast %parallel_loop3A_476 : i32 to index
        %parallel_loop3A_479 = tpu.vector_load %arg7[%parallel_loop3A_477, %parallel_loop3A_478] {strides = array<i32>} : memref<16x1024xf32, #tpu.memory_space<vmem>>, vector<1x16xf32>,
        %parallel_loop3A_480 = vector.shape_cast %parallel_loop3A_479 : vector<1x16xf32> to vector<16xf32>
        %parallel_loop3A_481 = arith.index_cast %parallel_loop3A_472 : i32 to index
        %parallel_loop3A_482 = arith.index_cast %parallel_loop3A_476 : i32 to index
        %parallel_loop3A_483 = tpu.vector_load %arg11[%parallel_loop3A_481, %parallel_loop3A_482] {strides = array<i32>} : memref<16x1024xf32, #tpu.memory_space<vmem>>, vector<1x16xf32>,
        %parallel_loop3A_484 = vector.shape_cast %parallel_loop3A_483 : vector<1x16xf32> to vector<16xf32>
        %parallel_loop3A_485 = vector.shape_cast %parallel_loop3A_480 : vector<16xf32> to vector<1x16xf32>
        tpu.vector_store %arg11[%parallel_loop3A_481, %parallel_loop3A_482], %parallel_loop3A_485 {add = true, strides = array<i32>} : memref<16x1024xf32, #tpu.memory_space<vmem>>, vector<1x16xf32>,
      } {sc.loop_unroll_factor = 8 : i64, sc.parallel_access}
    } {sc.loop_unroll_factor = 1 : i64, sc.parallel_access}
    %add3A_109 = arith.constant 0 : i32
    %add3A_110 = arith.addi %add3A_109, %mul3A_2 : i32
    %add3A_111 = arith.constant 32 : i32
    %add3A_112 = arith.addi %add3A_110, %add3A_111 : i32
    %dma_start3A_113 = arith.constant 0 : i32
    %dma_start3A_114 = tpu.memref_slice %arg4[%add3A_112, %dma_start3A_113] : memref<8192x1024xf32, #tpu.memory_space<hbm>> -> memref<16x1024xf32, #tpu.memory_space<hbm>>
    %dma_start3A_115 = arith.constant 0 : i32
    %dma_start3A_116 = tpu.memref_slice %arg4[%add3A_112, %dma_start3A_115] : memref<8192x1024xf32, #tpu.memory_space<hbm>> -> memref<16x1024xf32, #tpu.memory_space<hbm>>
    tpu.enqueue_dma source(%arg11 : memref<16x1024xf32, #tpu.memory_space<vmem>>) target(%dma_start3A_116 : memref<16x1024xf32, #tpu.memory_space<hbm>>) target_semaphore(%arg17 : memref<!tpu.dma_semaphore, #tpu.memory_space<semaphore_mem>>)
    %dma_wait3A_117 = arith.constant 0 : i32
    %dma_wait3A_118 = tpu.memref_slice %arg4[%add3A_81, %dma_wait3A_117] : memref<8192x1024xf32, #tpu.memory_space<hbm>> -> memref<16x1024xf32, #tpu.memory_space<hbm>>
    %dma_wait3A_119 = arith.constant 0 : i32
    %dma_wait3A_120 = tpu.memref_slice %arg4[%add3A_81, %dma_wait3A_119] : memref<8192x1024xf32, #tpu.memory_space<hbm>> -> memref<16x1024xf32, #tpu.memory_space<hbm>>
    tpu.wait_dma2 semaphore(%arg16 : memref<!tpu.dma_semaphore, #tpu.memory_space<semaphore_mem>>) src(%arg10 : memref<16x1024xf32, #tpu.memory_space<vmem>>) dst(%dma_wait3A_120 : memref<16x1024xf32, #tpu.memory_space<hbm>>)
    %add3A_121 = arith.constant 2048 : i32
    %add3A_122 = arith.addi %add3A_121, %mul3A_2 : i32
    %add3A_123 = arith.constant 0 : i32
    %add3A_124 = arith.addi %add3A_122, %add3A_123 : i32
    %dma_start3A_125 = arith.constant 0 : i32
    %dma_start3A_126 = tpu.memref_slice %arg2[%add3A_124, %dma_start3A_125] : memref<8192x1024xf32, #tpu.memory_space<hbm>> -> memref<16x1024xf32, #tpu.memory_space<hbm>>
    %dma_start3A_127 = arith.constant 0 : i32
    %dma_start3A_128 = tpu.memref_slice %arg2[%add3A_124, %dma_start3A_127] : memref<8192x1024xf32, #tpu.memory_space<hbm>> -> memref<16x1024xf32, #tpu.memory_space<hbm>>
    tpu.enqueue_dma source(%dma_start3A_128 : memref<16x1024xf32, #tpu.memory_space<hbm>>) target(%arg10 : memref<16x1024xf32, #tpu.memory_space<vmem>>) target_semaphore(%arg13 : memref<!tpu.dma_semaphore, #tpu.memory_space<semaphore_mem>>)
    %dma_wait3A_129 = arith.constant 0 : i32
    %dma_wait3A_130 = tpu.memref_slice %arg3[%add3A_37, %dma_wait3A_129] : memref<2048x1024xf32, #tpu.memory_space<hbm>> -> memref<16x1024xf32, #tpu.memory_space<hbm>>
    %dma_wait3A_131 = arith.constant 0 : i32
    %dma_wait3A_132 = tpu.memref_slice %arg3[%add3A_37, %dma_wait3A_131] : memref<2048x1024xf32, #tpu.memory_space<hbm>> -> memref<16x1024xf32, #tpu.memory_space<hbm>>
    tpu.wait_dma2 semaphore(%arg21 : memref<!tpu.dma_semaphore, #tpu.memory_space<semaphore_mem>>) src(%dma_wait3A_132 : memref<16x1024xf32, #tpu.memory_space<hbm>>) dst(%arg8 : memref<16x1024xf32, #tpu.memory_space<vmem>>)
    %dma_wait3A_133 = arith.constant 0 : i32
    %dma_wait3A_134 = tpu.memref_slice %arg2[%add3A_93, %dma_wait3A_133] : memref<8192x1024xf32, #tpu.memory_space<hbm>> -> memref<16x1024xf32, #tpu.memory_space<hbm>>
    %dma_wait3A_135 = arith.constant 0 : i32
    %dma_wait3A_136 = tpu.memref_slice %arg2[%add3A_93, %dma_wait3A_135] : memref<8192x1024xf32, #tpu.memory_space<hbm>> -> memref<16x1024xf32, #tpu.memory_space<hbm>>
    tpu.wait_dma2 semaphore(%arg12 : memref<!tpu.dma_semaphore, #tpu.memory_space<semaphore_mem>>) src(%dma_wait3A_136 : memref<16x1024xf32, #tpu.memory_space<hbm>>) dst(%arg9 : memref<16x1024xf32, #tpu.memory_space<vmem>>)
    %parallel_loop3A_137 = arith.constant 0 : i32
    %parallel_loop3A_138 = arith.constant 16 : i32
    %parallel_loop3A_139 = arith.constant 1 : i32
    scf.for %parallel_loop3A_472 = %parallel_loop3A_137 to %parallel_loop3A_138 step %parallel_loop3A_139  : i32 {
      %parallel_loop3A_473 = arith.constant 0 : i32
      %parallel_loop3A_474 = arith.constant 1024 : i32
      %parallel_loop3A_475 = arith.constant 16 : i32
      scf.for %parallel_loop3A_476 = %parallel_loop3A_473 to %parallel_loop3A_474 step %parallel_loop3A_475  : i32 {
        %parallel_loop3A_477 = arith.index_cast %parallel_loop3A_472 : i32 to index
        %parallel_loop3A_478 = arith.index_cast %parallel_loop3A_476 : i32 to index
        %parallel_loop3A_479 = tpu.vector_load %arg8[%parallel_loop3A_477, %parallel_loop3A_478] {strides = array<i32>} : memref<16x1024xf32, #tpu.memory_space<vmem>>, vector<1x16xf32>,
        %parallel_loop3A_480 = vector.shape_cast %parallel_loop3A_479 : vector<1x16xf32> to vector<16xf32>
        %parallel_loop3A_481 = arith.index_cast %parallel_loop3A_472 : i32 to index
        %parallel_loop3A_482 = arith.index_cast %parallel_loop3A_476 : i32 to index
        %parallel_loop3A_483 = tpu.vector_load %arg9[%parallel_loop3A_481, %parallel_loop3A_482] {strides = array<i32>} : memref<16x1024xf32, #tpu.memory_space<vmem>>, vector<1x16xf32>,
        %parallel_loop3A_484 = vector.shape_cast %parallel_loop3A_483 : vector<1x16xf32> to vector<16xf32>
        %parallel_loop3A_485 = vector.shape_cast %parallel_loop3A_480 : vector<16xf32> to vector<1x16xf32>
        tpu.vector_store %arg9[%parallel_loop3A_481, %parallel_loop3A_482], %parallel_loop3A_485 {add = true, strides = array<i32>} : memref<16x1024xf32, #tpu.memory_space<vmem>>, vector<1x16xf32>,
      } {sc.loop_unroll_factor = 8 : i64, sc.parallel_access}
    } {sc.loop_unroll_factor = 1 : i64, sc.parallel_access}
    %add3A_140 = arith.constant 0 : i32
    %add3A_141 = arith.addi %add3A_140, %mul3A_2 : i32
    %add3A_142 = arith.constant 48 : i32
    %add3A_143 = arith.addi %add3A_141, %add3A_142 : i32
    %dma_start3A_144 = arith.constant 0 : i32
    %dma_start3A_145 = tpu.memref_slice %arg4[%add3A_143, %dma_start3A_144] : memref<8192x1024xf32, #tpu.memory_space<hbm>> -> memref<16x1024xf32, #tpu.memory_space<hbm>>
    %dma_start3A_146 = arith.constant 0 : i32
    %dma_start3A_147 = tpu.memref_slice %arg4[%add3A_143, %dma_start3A_146] : memref<8192x1024xf32, #tpu.memory_space<hbm>> -> memref<16x1024xf32, #tpu.memory_space<hbm>>
    tpu.enqueue_dma source(%arg9 : memref<16x1024xf32, #tpu.memory_space<vmem>>) target(%dma_start3A_147 : memref<16x1024xf32, #tpu.memory_space<hbm>>) target_semaphore(%arg15 : memref<!tpu.dma_semaphore, #tpu.memory_space<semaphore_mem>>)
    %dma_wait3A_148 = arith.constant 0 : i32
    %dma_wait3A_149 = tpu.memref_slice %arg4[%add3A_112, %dma_wait3A_148] : memref<8192x1024xf32, #tpu.memory_space<hbm>> -> memref<16x1024xf32, #tpu.memory_space<hbm>>
    %dma_wait3A_150 = arith.constant 0 : i32
    %dma_wait3A_151 = tpu.memref_slice %arg4[%add3A_112, %dma_wait3A_150] : memref<8192x1024xf32, #tpu.memory_space<hbm>> -> memref<16x1024xf32, #tpu.memory_space<hbm>>
    tpu.wait_dma2 semaphore(%arg17 : memref<!tpu.dma_semaphore, #tpu.memory_space<semaphore_mem>>) src(%arg11 : memref<16x1024xf32, #tpu.memory_space<vmem>>) dst(%dma_wait3A_151 : memref<16x1024xf32, #tpu.memory_space<hbm>>)
    %add3A_152 = arith.constant 2048 : i32
    %add3A_153 = arith.addi %add3A_152, %mul3A_2 : i32
    %add3A_154 = arith.constant 16 : i32
    %add3A_155 = arith.addi %add3A_153, %add3A_154 : i32
    %dma_start3A_156 = arith.constant 0 : i32
    %dma_start3A_157 = tpu.memref_slice %arg2[%add3A_155, %dma_start3A_156] : memref<8192x1024xf32, #tpu.memory_space<hbm>> -> memref<16x1024xf32, #tpu.memory_space<hbm>>
    %dma_start3A_158 = arith.constant 0 : i32
    %dma_start3A_159 = tpu.memref_slice %arg2[%add3A_155, %dma_start3A_158] : memref<8192x1024xf32, #tpu.memory_space<hbm>> -> memref<16x1024xf32, #tpu.memory_space<hbm>>
    tpu.enqueue_dma source(%dma_start3A_159 : memref<16x1024xf32, #tpu.memory_space<hbm>>) target(%arg11 : memref<16x1024xf32, #tpu.memory_space<vmem>>) target_semaphore(%arg14 : memref<!tpu.dma_semaphore, #tpu.memory_space<semaphore_mem>>)
    %dma_wait3A_160 = arith.constant 0 : i32
    %dma_wait3A_161 = tpu.memref_slice %arg2[%add3A_124, %dma_wait3A_160] : memref<8192x1024xf32, #tpu.memory_space<hbm>> -> memref<16x1024xf32, #tpu.memory_space<hbm>>
    %dma_wait3A_162 = arith.constant 0 : i32
    %dma_wait3A_163 = tpu.memref_slice %arg2[%add3A_124, %dma_wait3A_162] : memref<8192x1024xf32, #tpu.memory_space<hbm>> -> memref<16x1024xf32, #tpu.memory_space<hbm>>
    tpu.wait_dma2 semaphore(%arg13 : memref<!tpu.dma_semaphore, #tpu.memory_space<semaphore_mem>>) src(%dma_wait3A_163 : memref<16x1024xf32, #tpu.memory_space<hbm>>) dst(%arg10 : memref<16x1024xf32, #tpu.memory_space<vmem>>)
    %parallel_loop3A_164 = arith.constant 0 : i32
    %parallel_loop3A_165 = arith.constant 16 : i32
    %parallel_loop3A_166 = arith.constant 1 : i32
    scf.for %parallel_loop3A_472 = %parallel_loop3A_164 to %parallel_loop3A_165 step %parallel_loop3A_166  : i32 {
      %parallel_loop3A_473 = arith.constant 0 : i32
      %parallel_loop3A_474 = arith.constant 1024 : i32
      %parallel_loop3A_475 = arith.constant 16 : i32
      scf.for %parallel_loop3A_476 = %parallel_loop3A_473 to %parallel_loop3A_474 step %parallel_loop3A_475  : i32 {
        %parallel_loop3A_477 = arith.index_cast %parallel_loop3A_472 : i32 to index
        %parallel_loop3A_478 = arith.index_cast %parallel_loop3A_476 : i32 to index
        %parallel_loop3A_479 = tpu.vector_load %arg5[%parallel_loop3A_477, %parallel_loop3A_478] {strides = array<i32>} : memref<16x1024xf32, #tpu.memory_space<vmem>>, vector<1x16xf32>,
        %parallel_loop3A_480 = vector.shape_cast %parallel_loop3A_479 : vector<1x16xf32> to vector<16xf32>
        %parallel_loop3A_481 = arith.index_cast %parallel_loop3A_472 : i32 to index
        %parallel_loop3A_482 = arith.index_cast %parallel_loop3A_476 : i32 to index
        %parallel_loop3A_483 = tpu.vector_load %arg10[%parallel_loop3A_481, %parallel_loop3A_482] {strides = array<i32>} : memref<16x1024xf32, #tpu.memory_space<vmem>>, vector<1x16xf32>,
        %parallel_loop3A_484 = vector.shape_cast %parallel_loop3A_483 : vector<1x16xf32> to vector<16xf32>
        %parallel_loop3A_485 = vector.shape_cast %parallel_loop3A_480 : vector<16xf32> to vector<1x16xf32>
        tpu.vector_store %arg10[%parallel_loop3A_481, %parallel_loop3A_482], %parallel_loop3A_485 {add = true, strides = array<i32>} : memref<16x1024xf32, #tpu.memory_space<vmem>>, vector<1x16xf32>,
      } {sc.loop_unroll_factor = 8 : i64, sc.parallel_access}
    } {sc.loop_unroll_factor = 1 : i64, sc.parallel_access}
    %add3A_167 = arith.constant 2048 : i32
    %add3A_168 = arith.addi %add3A_167, %mul3A_2 : i32
    %add3A_169 = arith.constant 0 : i32
    %add3A_170 = arith.addi %add3A_168, %add3A_169 : i32
    %dma_start3A_171 = arith.constant 0 : i32
    %dma_start3A_172 = tpu.memref_slice %arg4[%add3A_170, %dma_start3A_171] : memref<8192x1024xf32, #tpu.memory_space<hbm>> -> memref<16x1024xf32, #tpu.memory_space<hbm>>
    %dma_start3A_173 = arith.constant 0 : i32
    %dma_start3A_174 = tpu.memref_slice %arg4[%add3A_170, %dma_start3A_173] : memref<8192x1024xf32, #tpu.memory_space<hbm>> -> memref<16x1024xf32, #tpu.memory_space<hbm>>
    tpu.enqueue_dma source(%arg10 : memref<16x1024xf32, #tpu.memory_space<vmem>>) target(%dma_start3A_174 : memref<16x1024xf32, #tpu.memory_space<hbm>>) target_semaphore(%arg16 : memref<!tpu.dma_semaphore, #tpu.memory_space<semaphore_mem>>)
    %dma_wait3A_175 = arith.constant 0 : i32
    %dma_wait3A_176 = tpu.memref_slice %arg4[%add3A_143, %dma_wait3A_175] : memref<8192x1024xf32, #tpu.memory_space<hbm>> -> memref<16x1024xf32, #tpu.memory_space<hbm>>
    %dma_wait3A_177 = arith.constant 0 : i32
    %dma_wait3A_178 = tpu.memref_slice %arg4[%add3A_143, %dma_wait3A_177] : memref<8192x1024xf32, #tpu.memory_space<hbm>> -> memref<16x1024xf32, #tpu.memory_space<hbm>>
    tpu.wait_dma2 semaphore(%arg15 : memref<!tpu.dma_semaphore, #tpu.memory_space<semaphore_mem>>) src(%arg9 : memref<16x1024xf32, #tpu.memory_space<vmem>>) dst(%dma_wait3A_178 : memref<16x1024xf32, #tpu.memory_space<hbm>>)
    %add3A_179 = arith.constant 2048 : i32
    %add3A_180 = arith.addi %add3A_179, %mul3A_2 : i32
    %add3A_181 = arith.constant 32 : i32
    %add3A_182 = arith.addi %add3A_180, %add3A_181 : i32
    %dma_start3A_183 = arith.constant 0 : i32
    %dma_start3A_184 = tpu.memref_slice %arg2[%add3A_182, %dma_start3A_183] : memref<8192x1024xf32, #tpu.memory_space<hbm>> -> memref<16x1024xf32, #tpu.memory_space<hbm>>
    %dma_start3A_185 = arith.constant 0 : i32
    %dma_start3A_186 = tpu.memref_slice %arg2[%add3A_182, %dma_start3A_185] : memref<8192x1024xf32, #tpu.memory_space<hbm>> -> memref<16x1024xf32, #tpu.memory_space<hbm>>
    tpu.enqueue_dma source(%dma_start3A_186 : memref<16x1024xf32, #tpu.memory_space<hbm>>) target(%arg9 : memref<16x1024xf32, #tpu.memory_space<vmem>>) target_semaphore(%arg12 : memref<!tpu.dma_semaphore, #tpu.memory_space<semaphore_mem>>)
    %dma_wait3A_187 = arith.constant 0 : i32
    %dma_wait3A_188 = tpu.memref_slice %arg2[%add3A_155, %dma_wait3A_187] : memref<8192x1024xf32, #tpu.memory_space<hbm>> -> memref<16x1024xf32, #tpu.memory_space<hbm>>
    %dma_wait3A_189 = arith.constant 0 : i32
    %dma_wait3A_190 = tpu.memref_slice %arg2[%add3A_155, %dma_wait3A_189] : memref<8192x1024xf32, #tpu.memory_space<hbm>> -> memref<16x1024xf32, #tpu.memory_space<hbm>>
    tpu.wait_dma2 semaphore(%arg14 : memref<!tpu.dma_semaphore, #tpu.memory_space<semaphore_mem>>) src(%dma_wait3A_190 : memref<16x1024xf32, #tpu.memory_space<hbm>>) dst(%arg11 : memref<16x1024xf32, #tpu.memory_space<vmem>>)
    %parallel_loop3A_191 = arith.constant 0 : i32
    %parallel_loop3A_192 = arith.constant 16 : i32
    %parallel_loop3A_193 = arith.constant 1 : i32
    scf.for %parallel_loop3A_472 = %parallel_loop3A_191 to %parallel_loop3A_192 step %parallel_loop3A_193  : i32 {
      %parallel_loop3A_473 = arith.constant 0 : i32
      %parallel_loop3A_474 = arith.constant 1024 : i32
      %parallel_loop3A_475 = arith.constant 16 : i32
      scf.for %parallel_loop3A_476 = %parallel_loop3A_473 to %parallel_loop3A_474 step %parallel_loop3A_475  : i32 {
        %parallel_loop3A_477 = arith.index_cast %parallel_loop3A_472 : i32 to index
        %parallel_loop3A_478 = arith.index_cast %parallel_loop3A_476 : i32 to index
        %parallel_loop3A_479 = tpu.vector_load %arg6[%parallel_loop3A_477, %parallel_loop3A_478] {strides = array<i32>} : memref<16x1024xf32, #tpu.memory_space<vmem>>, vector<1x16xf32>,
        %parallel_loop3A_480 = vector.shape_cast %parallel_loop3A_479 : vector<1x16xf32> to vector<16xf32>
        %parallel_loop3A_481 = arith.index_cast %parallel_loop3A_472 : i32 to index
        %parallel_loop3A_482 = arith.index_cast %parallel_loop3A_476 : i32 to index
        %parallel_loop3A_483 = tpu.vector_load %arg11[%parallel_loop3A_481, %parallel_loop3A_482] {strides = array<i32>} : memref<16x1024xf32, #tpu.memory_space<vmem>>, vector<1x16xf32>,
        %parallel_loop3A_484 = vector.shape_cast %parallel_loop3A_483 : vector<1x16xf32> to vector<16xf32>
        %parallel_loop3A_485 = vector.shape_cast %parallel_loop3A_480 : vector<16xf32> to vector<1x16xf32>
        tpu.vector_store %arg11[%parallel_loop3A_481, %parallel_loop3A_482], %parallel_loop3A_485 {add = true, strides = array<i32>} : memref<16x1024xf32, #tpu.memory_space<vmem>>, vector<1x16xf32>,
      } {sc.loop_unroll_factor = 8 : i64, sc.parallel_access}
    } {sc.loop_unroll_factor = 1 : i64, sc.parallel_access}
    %add3A_194 = arith.constant 2048 : i32
    %add3A_195 = arith.addi %add3A_194, %mul3A_2 : i32
    %add3A_196 = arith.constant 16 : i32
    %add3A_197 = arith.addi %add3A_195, %add3A_196 : i32
    %dma_start3A_198 = arith.constant 0 : i32
    %dma_start3A_199 = tpu.memref_slice %arg4[%add3A_197, %dma_start3A_198] : memref<8192x1024xf32, #tpu.memory_space<hbm>> -> memref<16x1024xf32, #tpu.memory_space<hbm>>
    %dma_start3A_200 = arith.constant 0 : i32
    %dma_start3A_201 = tpu.memref_slice %arg4[%add3A_197, %dma_start3A_200] : memref<8192x1024xf32, #tpu.memory_space<hbm>> -> memref<16x1024xf32, #tpu.memory_space<hbm>>
    tpu.enqueue_dma source(%arg11 : memref<16x1024xf32, #tpu.memory_space<vmem>>) target(%dma_start3A_201 : memref<16x1024xf32, #tpu.memory_space<hbm>>) target_semaphore(%arg17 : memref<!tpu.dma_semaphore, #tpu.memory_space<semaphore_mem>>)
    %dma_wait3A_202 = arith.constant 0 : i32
    %dma_wait3A_203 = tpu.memref_slice %arg4[%add3A_170, %dma_wait3A_202] : memref<8192x1024xf32, #tpu.memory_space<hbm>> -> memref<16x1024xf32, #tpu.memory_space<hbm>>
    %dma_wait3A_204 = arith.constant 0 : i32
    %dma_wait3A_205 = tpu.memref_slice %arg4[%add3A_170, %dma_wait3A_204] : memref<8192x1024xf32, #tpu.memory_space<hbm>> -> memref<16x1024xf32, #tpu.memory_space<hbm>>
    tpu.wait_dma2 semaphore(%arg16 : memref<!tpu.dma_semaphore, #tpu.memory_space<semaphore_mem>>) src(%arg10 : memref<16x1024xf32, #tpu.memory_space<vmem>>) dst(%dma_wait3A_205 : memref<16x1024xf32, #tpu.memory_space<hbm>>)
    %add3A_206 = arith.constant 2048 : i32
    %add3A_207 = arith.addi %add3A_206, %mul3A_2 : i32
    %add3A_208 = arith.constant 48 : i32
    %add3A_209 = arith.addi %add3A_207, %add3A_208 : i32
    %dma_start3A_210 = arith.constant 0 : i32
    %dma_start3A_211 = tpu.memref_slice %arg2[%add3A_209, %dma_start3A_210] : memref<8192x1024xf32, #tpu.memory_space<hbm>> -> memref<16x1024xf32, #tpu.memory_space<hbm>>
    %dma_start3A_212 = arith.constant 0 : i32
    %dma_start3A_213 = tpu.memref_slice %arg2[%add3A_209, %dma_start3A_212] : memref<8192x1024xf32, #tpu.memory_space<hbm>> -> memref<16x1024xf32, #tpu.memory_space<hbm>>
    tpu.enqueue_dma source(%dma_start3A_213 : memref<16x1024xf32, #tpu.memory_space<hbm>>) target(%arg10 : memref<16x1024xf32, #tpu.memory_space<vmem>>) target_semaphore(%arg13 : memref<!tpu.dma_semaphore, #tpu.memory_space<semaphore_mem>>)
    %dma_wait3A_214 = arith.constant 0 : i32
    %dma_wait3A_215 = tpu.memref_slice %arg2[%add3A_182, %dma_wait3A_214] : memref<8192x1024xf32, #tpu.memory_space<hbm>> -> memref<16x1024xf32, #tpu.memory_space<hbm>>
    %dma_wait3A_216 = arith.constant 0 : i32
    %dma_wait3A_217 = tpu.memref_slice %arg2[%add3A_182, %dma_wait3A_216] : memref<8192x1024xf32, #tpu.memory_space<hbm>> -> memref<16x1024xf32, #tpu.memory_space<hbm>>
    tpu.wait_dma2 semaphore(%arg12 : memref<!tpu.dma_semaphore, #tpu.memory_space<semaphore_mem>>) src(%dma_wait3A_217 : memref<16x1024xf32, #tpu.memory_space<hbm>>) dst(%arg9 : memref<16x1024xf32, #tpu.memory_space<vmem>>)
    %parallel_loop3A_218 = arith.constant 0 : i32
    %parallel_loop3A_219 = arith.constant 16 : i32
    %parallel_loop3A_220 = arith.constant 1 : i32
    scf.for %parallel_loop3A_472 = %parallel_loop3A_218 to %parallel_loop3A_219 step %parallel_loop3A_220  : i32 {
      %parallel_loop3A_473 = arith.constant 0 : i32
      %parallel_loop3A_474 = arith.constant 1024 : i32
      %parallel_loop3A_475 = arith.constant 16 : i32
      scf.for %parallel_loop3A_476 = %parallel_loop3A_473 to %parallel_loop3A_474 step %parallel_loop3A_475  : i32 {
        %parallel_loop3A_477 = arith.index_cast %parallel_loop3A_472 : i32 to index
        %parallel_loop3A_478 = arith.index_cast %parallel_loop3A_476 : i32 to index
        %parallel_loop3A_479 = tpu.vector_load %arg7[%parallel_loop3A_477, %parallel_loop3A_478] {strides = array<i32>} : memref<16x1024xf32, #tpu.memory_space<vmem>>, vector<1x16xf32>,
        %parallel_loop3A_480 = vector.shape_cast %parallel_loop3A_479 : vector<1x16xf32> to vector<16xf32>
        %parallel_loop3A_481 = arith.index_cast %parallel_loop3A_472 : i32 to index
        %parallel_loop3A_482 = arith.index_cast %parallel_loop3A_476 : i32 to index
        %parallel_loop3A_483 = tpu.vector_load %arg9[%parallel_loop3A_481, %parallel_loop3A_482] {strides = array<i32>} : memref<16x1024xf32, #tpu.memory_space<vmem>>, vector<1x16xf32>,
        %parallel_loop3A_484 = vector.shape_cast %parallel_loop3A_483 : vector<1x16xf32> to vector<16xf32>
        %parallel_loop3A_485 = vector.shape_cast %parallel_loop3A_480 : vector<16xf32> to vector<1x16xf32>
        tpu.vector_store %arg9[%parallel_loop3A_481, %parallel_loop3A_482], %parallel_loop3A_485 {add = true, strides = array<i32>} : memref<16x1024xf32, #tpu.memory_space<vmem>>, vector<1x16xf32>,
      } {sc.loop_unroll_factor = 8 : i64, sc.parallel_access}
    } {sc.loop_unroll_factor = 1 : i64, sc.parallel_access}
    %add3A_221 = arith.constant 2048 : i32
    %add3A_222 = arith.addi %add3A_221, %mul3A_2 : i32
    %add3A_223 = arith.constant 32 : i32
    %add3A_224 = arith.addi %add3A_222, %add3A_223 : i32
    %dma_start3A_225 = arith.constant 0 : i32
    %dma_start3A_226 = tpu.memref_slice %arg4[%add3A_224, %dma_start3A_225] : memref<8192x1024xf32, #tpu.memory_space<hbm>> -> memref<16x1024xf32, #tpu.memory_space<hbm>>
    %dma_start3A_227 = arith.constant 0 : i32
    %dma_start3A_228 = tpu.memref_slice %arg4[%add3A_224, %dma_start3A_227] : memref<8192x1024xf32, #tpu.memory_space<hbm>> -> memref<16x1024xf32, #tpu.memory_space<hbm>>
    tpu.enqueue_dma source(%arg9 : memref<16x1024xf32, #tpu.memory_space<vmem>>) target(%dma_start3A_228 : memref<16x1024xf32, #tpu.memory_space<hbm>>) target_semaphore(%arg15 : memref<!tpu.dma_semaphore, #tpu.memory_space<semaphore_mem>>)
    %dma_wait3A_229 = arith.constant 0 : i32
    %dma_wait3A_230 = tpu.memref_slice %arg4[%add3A_197, %dma_wait3A_229] : memref<8192x1024xf32, #tpu.memory_space<hbm>> -> memref<16x1024xf32, #tpu.memory_space<hbm>>
    %dma_wait3A_231 = arith.constant 0 : i32
    %dma_wait3A_232 = tpu.memref_slice %arg4[%add3A_197, %dma_wait3A_231] : memref<8192x1024xf32, #tpu.memory_space<hbm>> -> memref<16x1024xf32, #tpu.memory_space<hbm>>
    tpu.wait_dma2 semaphore(%arg17 : memref<!tpu.dma_semaphore, #tpu.memory_space<semaphore_mem>>) src(%arg11 : memref<16x1024xf32, #tpu.memory_space<vmem>>) dst(%dma_wait3A_232 : memref<16x1024xf32, #tpu.memory_space<hbm>>)
    %add3A_233 = arith.constant 4096 : i32
    %add3A_234 = arith.addi %add3A_233, %mul3A_2 : i32
    %add3A_235 = arith.constant 0 : i32
    %add3A_236 = arith.addi %add3A_234, %add3A_235 : i32
    %dma_start3A_237 = arith.constant 0 : i32
    %dma_start3A_238 = tpu.memref_slice %arg2[%add3A_236, %dma_start3A_237] : memref<8192x1024xf32, #tpu.memory_space<hbm>> -> memref<16x1024xf32, #tpu.memory_space<hbm>>
    %dma_start3A_239 = arith.constant 0 : i32
    %dma_start3A_240 = tpu.memref_slice %arg2[%add3A_236, %dma_start3A_239] : memref<8192x1024xf32, #tpu.memory_space<hbm>> -> memref<16x1024xf32, #tpu.memory_space<hbm>>
    tpu.enqueue_dma source(%dma_start3A_240 : memref<16x1024xf32, #tpu.memory_space<hbm>>) target(%arg11 : memref<16x1024xf32, #tpu.memory_space<vmem>>) target_semaphore(%arg14 : memref<!tpu.dma_semaphore, #tpu.memory_space<semaphore_mem>>)
    %dma_wait3A_241 = arith.constant 0 : i32
    %dma_wait3A_242 = tpu.memref_slice %arg2[%add3A_209, %dma_wait3A_241] : memref<8192x1024xf32, #tpu.memory_space<hbm>> -> memref<16x1024xf32, #tpu.memory_space<hbm>>
    %dma_wait3A_243 = arith.constant 0 : i32
    %dma_wait3A_244 = tpu.memref_slice %arg2[%add3A_209, %dma_wait3A_243] : memref<8192x1024xf32, #tpu.memory_space<hbm>> -> memref<16x1024xf32, #tpu.memory_space<hbm>>
    tpu.wait_dma2 semaphore(%arg13 : memref<!tpu.dma_semaphore, #tpu.memory_space<semaphore_mem>>) src(%dma_wait3A_244 : memref<16x1024xf32, #tpu.memory_space<hbm>>) dst(%arg10 : memref<16x1024xf32, #tpu.memory_space<vmem>>)
    %parallel_loop3A_245 = arith.constant 0 : i32
    %parallel_loop3A_246 = arith.constant 16 : i32
    %parallel_loop3A_247 = arith.constant 1 : i32
    scf.for %parallel_loop3A_472 = %parallel_loop3A_245 to %parallel_loop3A_246 step %parallel_loop3A_247  : i32 {
      %parallel_loop3A_473 = arith.constant 0 : i32
      %parallel_loop3A_474 = arith.constant 1024 : i32
      %parallel_loop3A_475 = arith.constant 16 : i32
      scf.for %parallel_loop3A_476 = %parallel_loop3A_473 to %parallel_loop3A_474 step %parallel_loop3A_475  : i32 {
        %parallel_loop3A_477 = arith.index_cast %parallel_loop3A_472 : i32 to index
        %parallel_loop3A_478 = arith.index_cast %parallel_loop3A_476 : i32 to index
        %parallel_loop3A_479 = tpu.vector_load %arg8[%parallel_loop3A_477, %parallel_loop3A_478] {strides = array<i32>} : memref<16x1024xf32, #tpu.memory_space<vmem>>, vector<1x16xf32>,
        %parallel_loop3A_480 = vector.shape_cast %parallel_loop3A_479 : vector<1x16xf32> to vector<16xf32>
        %parallel_loop3A_481 = arith.index_cast %parallel_loop3A_472 : i32 to index
        %parallel_loop3A_482 = arith.index_cast %parallel_loop3A_476 : i32 to index
        %parallel_loop3A_483 = tpu.vector_load %arg10[%parallel_loop3A_481, %parallel_loop3A_482] {strides = array<i32>} : memref<16x1024xf32, #tpu.memory_space<vmem>>, vector<1x16xf32>,
        %parallel_loop3A_484 = vector.shape_cast %parallel_loop3A_483 : vector<1x16xf32> to vector<16xf32>
        %parallel_loop3A_485 = vector.shape_cast %parallel_loop3A_480 : vector<16xf32> to vector<1x16xf32>
        tpu.vector_store %arg10[%parallel_loop3A_481, %parallel_loop3A_482], %parallel_loop3A_485 {add = true, strides = array<i32>} : memref<16x1024xf32, #tpu.memory_space<vmem>>, vector<1x16xf32>,
      } {sc.loop_unroll_factor = 8 : i64, sc.parallel_access}
    } {sc.loop_unroll_factor = 1 : i64, sc.parallel_access}
    %add3A_248 = arith.constant 2048 : i32
    %add3A_249 = arith.addi %add3A_248, %mul3A_2 : i32
    %add3A_250 = arith.constant 48 : i32
    %add3A_251 = arith.addi %add3A_249, %add3A_250 : i32
    %dma_start3A_252 = arith.constant 0 : i32
    %dma_start3A_253 = tpu.memref_slice %arg4[%add3A_251, %dma_start3A_252] : memref<8192x1024xf32, #tpu.memory_space<hbm>> -> memref<16x1024xf32, #tpu.memory_space<hbm>>
    %dma_start3A_254 = arith.constant 0 : i32
    %dma_start3A_255 = tpu.memref_slice %arg4[%add3A_251, %dma_start3A_254] : memref<8192x1024xf32, #tpu.memory_space<hbm>> -> memref<16x1024xf32, #tpu.memory_space<hbm>>
    tpu.enqueue_dma source(%arg10 : memref<16x1024xf32, #tpu.memory_space<vmem>>) target(%dma_start3A_255 : memref<16x1024xf32, #tpu.memory_space<hbm>>) target_semaphore(%arg16 : memref<!tpu.dma_semaphore, #tpu.memory_space<semaphore_mem>>)
    %dma_wait3A_256 = arith.constant 0 : i32
    %dma_wait3A_257 = tpu.memref_slice %arg4[%add3A_224, %dma_wait3A_256] : memref<8192x1024xf32, #tpu.memory_space<hbm>> -> memref<16x1024xf32, #tpu.memory_space<hbm>>
    %dma_wait3A_258 = arith.constant 0 : i32
    %dma_wait3A_259 = tpu.memref_slice %arg4[%add3A_224, %dma_wait3A_258] : memref<8192x1024xf32, #tpu.memory_space<hbm>> -> memref<16x1024xf32, #tpu.memory_space<hbm>>
    tpu.wait_dma2 semaphore(%arg15 : memref<!tpu.dma_semaphore, #tpu.memory_space<semaphore_mem>>) src(%arg9 : memref<16x1024xf32, #tpu.memory_space<vmem>>) dst(%dma_wait3A_259 : memref<16x1024xf32, #tpu.memory_space<hbm>>)
    %add3A_260 = arith.constant 4096 : i32
    %add3A_261 = arith.addi %add3A_260, %mul3A_2 : i32
    %add3A_262 = arith.constant 16 : i32
    %add3A_263 = arith.addi %add3A_261, %add3A_262 : i32
    %dma_start3A_264 = arith.constant 0 : i32
    %dma_start3A_265 = tpu.memref_slice %arg2[%add3A_263, %dma_start3A_264] : memref<8192x1024xf32, #tpu.memory_space<hbm>> -> memref<16x1024xf32, #tpu.memory_space<hbm>>
    %dma_start3A_266 = arith.constant 0 : i32
    %dma_start3A_267 = tpu.memref_slice %arg2[%add3A_263, %dma_start3A_266] : memref<8192x1024xf32, #tpu.memory_space<hbm>> -> memref<16x1024xf32, #tpu.memory_space<hbm>>
    tpu.enqueue_dma source(%dma_start3A_267 : memref<16x1024xf32, #tpu.memory_space<hbm>>) target(%arg9 : memref<16x1024xf32, #tpu.memory_space<vmem>>) target_semaphore(%arg12 : memref<!tpu.dma_semaphore, #tpu.memory_space<semaphore_mem>>)
    %dma_wait3A_268 = arith.constant 0 : i32
    %dma_wait3A_269 = tpu.memref_slice %arg2[%add3A_236, %dma_wait3A_268] : memref<8192x1024xf32, #tpu.memory_space<hbm>> -> memref<16x1024xf32, #tpu.memory_space<hbm>>
    %dma_wait3A_270 = arith.constant 0 : i32
    %dma_wait3A_271 = tpu.memref_slice %arg2[%add3A_236, %dma_wait3A_270] : memref<8192x1024xf32, #tpu.memory_space<hbm>> -> memref<16x1024xf32, #tpu.memory_space<hbm>>
    tpu.wait_dma2 semaphore(%arg14 : memref<!tpu.dma_semaphore, #tpu.memory_space<semaphore_mem>>) src(%dma_wait3A_271 : memref<16x1024xf32, #tpu.memory_space<hbm>>) dst(%arg11 : memref<16x1024xf32, #tpu.memory_space<vmem>>)
    %parallel_loop3A_272 = arith.constant 0 : i32
    %parallel_loop3A_273 = arith.constant 16 : i32
    %parallel_loop3A_274 = arith.constant 1 : i32
    scf.for %parallel_loop3A_472 = %parallel_loop3A_272 to %parallel_loop3A_273 step %parallel_loop3A_274  : i32 {
      %parallel_loop3A_473 = arith.constant 0 : i32
      %parallel_loop3A_474 = arith.constant 1024 : i32
      %parallel_loop3A_475 = arith.constant 16 : i32
      scf.for %parallel_loop3A_476 = %parallel_loop3A_473 to %parallel_loop3A_474 step %parallel_loop3A_475  : i32 {
        %parallel_loop3A_477 = arith.index_cast %parallel_loop3A_472 : i32 to index
        %parallel_loop3A_478 = arith.index_cast %parallel_loop3A_476 : i32 to index
        %parallel_loop3A_479 = tpu.vector_load %arg5[%parallel_loop3A_477, %parallel_loop3A_478] {strides = array<i32>} : memref<16x1024xf32, #tpu.memory_space<vmem>>, vector<1x16xf32>,
        %parallel_loop3A_480 = vector.shape_cast %parallel_loop3A_479 : vector<1x16xf32> to vector<16xf32>
        %parallel_loop3A_481 = arith.index_cast %parallel_loop3A_472 : i32 to index
        %parallel_loop3A_482 = arith.index_cast %parallel_loop3A_476 : i32 to index
        %parallel_loop3A_483 = tpu.vector_load %arg11[%parallel_loop3A_481, %parallel_loop3A_482] {strides = array<i32>} : memref<16x1024xf32, #tpu.memory_space<vmem>>, vector<1x16xf32>,
        %parallel_loop3A_484 = vector.shape_cast %parallel_loop3A_483 : vector<1x16xf32> to vector<16xf32>
        %parallel_loop3A_485 = vector.shape_cast %parallel_loop3A_480 : vector<16xf32> to vector<1x16xf32>
        tpu.vector_store %arg11[%parallel_loop3A_481, %parallel_loop3A_482], %parallel_loop3A_485 {add = true, strides = array<i32>} : memref<16x1024xf32, #tpu.memory_space<vmem>>, vector<1x16xf32>,
      } {sc.loop_unroll_factor = 8 : i64, sc.parallel_access}
    } {sc.loop_unroll_factor = 1 : i64, sc.parallel_access}
    %add3A_275 = arith.constant 4096 : i32
    %add3A_276 = arith.addi %add3A_275, %mul3A_2 : i32
    %add3A_277 = arith.constant 0 : i32
    %add3A_278 = arith.addi %add3A_276, %add3A_277 : i32
    %dma_start3A_279 = arith.constant 0 : i32
    %dma_start3A_280 = tpu.memref_slice %arg4[%add3A_278, %dma_start3A_279] : memref<8192x1024xf32, #tpu.memory_space<hbm>> -> memref<16x1024xf32, #tpu.memory_space<hbm>>
    %dma_start3A_281 = arith.constant 0 : i32
    %dma_start3A_282 = tpu.memref_slice %arg4[%add3A_278, %dma_start3A_281] : memref<8192x1024xf32, #tpu.memory_space<hbm>> -> memref<16x1024xf32, #tpu.memory_space<hbm>>
    tpu.enqueue_dma source(%arg11 : memref<16x1024xf32, #tpu.memory_space<vmem>>) target(%dma_start3A_282 : memref<16x1024xf32, #tpu.memory_space<hbm>>) target_semaphore(%arg17 : memref<!tpu.dma_semaphore, #tpu.memory_space<semaphore_mem>>)
    %dma_wait3A_283 = arith.constant 0 : i32
    %dma_wait3A_284 = tpu.memref_slice %arg4[%add3A_251, %dma_wait3A_283] : memref<8192x1024xf32, #tpu.memory_space<hbm>> -> memref<16x1024xf32, #tpu.memory_space<hbm>>
    %dma_wait3A_285 = arith.constant 0 : i32
    %dma_wait3A_286 = tpu.memref_slice %arg4[%add3A_251, %dma_wait3A_285] : memref<8192x1024xf32, #tpu.memory_space<hbm>> -> memref<16x1024xf32, #tpu.memory_space<hbm>>
    tpu.wait_dma2 semaphore(%arg16 : memref<!tpu.dma_semaphore, #tpu.memory_space<semaphore_mem>>) src(%arg10 : memref<16x1024xf32, #tpu.memory_space<vmem>>) dst(%dma_wait3A_286 : memref<16x1024xf32, #tpu.memory_space<hbm>>)
    %add3A_287 = arith.constant 4096 : i32
    %add3A_288 = arith.addi %add3A_287, %mul3A_2 : i32
    %add3A_289 = arith.constant 32 : i32
    %add3A_290 = arith.addi %add3A_288, %add3A_289 : i32
    %dma_start3A_291 = arith.constant 0 : i32
    %dma_start3A_292 = tpu.memref_slice %arg2[%add3A_290, %dma_start3A_291] : memref<8192x1024xf32, #tpu.memory_space<hbm>> -> memref<16x1024xf32, #tpu.memory_space<hbm>>
    %dma_start3A_293 = arith.constant 0 : i32
    %dma_start3A_294 = tpu.memref_slice %arg2[%add3A_290, %dma_start3A_293] : memref<8192x1024xf32, #tpu.memory_space<hbm>> -> memref<16x1024xf32, #tpu.memory_space<hbm>>
    tpu.enqueue_dma source(%dma_start3A_294 : memref<16x1024xf32, #tpu.memory_space<hbm>>) target(%arg10 : memref<16x1024xf32, #tpu.memory_space<vmem>>) target_semaphore(%arg13 : memref<!tpu.dma_semaphore, #tpu.memory_space<semaphore_mem>>)
    %dma_wait3A_295 = arith.constant 0 : i32
    %dma_wait3A_296 = tpu.memref_slice %arg2[%add3A_263, %dma_wait3A_295] : memref<8192x1024xf32, #tpu.memory_space<hbm>> -> memref<16x1024xf32, #tpu.memory_space<hbm>>
    %dma_wait3A_297 = arith.constant 0 : i32
    %dma_wait3A_298 = tpu.memref_slice %arg2[%add3A_263, %dma_wait3A_297] : memref<8192x1024xf32, #tpu.memory_space<hbm>> -> memref<16x1024xf32, #tpu.memory_space<hbm>>
    tpu.wait_dma2 semaphore(%arg12 : memref<!tpu.dma_semaphore, #tpu.memory_space<semaphore_mem>>) src(%dma_wait3A_298 : memref<16x1024xf32, #tpu.memory_space<hbm>>) dst(%arg9 : memref<16x1024xf32, #tpu.memory_space<vmem>>)
    %parallel_loop3A_299 = arith.constant 0 : i32
    %parallel_loop3A_300 = arith.constant 16 : i32
    %parallel_loop3A_301 = arith.constant 1 : i32
    scf.for %parallel_loop3A_472 = %parallel_loop3A_299 to %parallel_loop3A_300 step %parallel_loop3A_301  : i32 {
      %parallel_loop3A_473 = arith.constant 0 : i32
      %parallel_loop3A_474 = arith.constant 1024 : i32
      %parallel_loop3A_475 = arith.constant 16 : i32
      scf.for %parallel_loop3A_476 = %parallel_loop3A_473 to %parallel_loop3A_474 step %parallel_loop3A_475  : i32 {
        %parallel_loop3A_477 = arith.index_cast %parallel_loop3A_472 : i32 to index
        %parallel_loop3A_478 = arith.index_cast %parallel_loop3A_476 : i32 to index
        %parallel_loop3A_479 = tpu.vector_load %arg6[%parallel_loop3A_477, %parallel_loop3A_478] {strides = array<i32>} : memref<16x1024xf32, #tpu.memory_space<vmem>>, vector<1x16xf32>,
        %parallel_loop3A_480 = vector.shape_cast %parallel_loop3A_479 : vector<1x16xf32> to vector<16xf32>
        %parallel_loop3A_481 = arith.index_cast %parallel_loop3A_472 : i32 to index
        %parallel_loop3A_482 = arith.index_cast %parallel_loop3A_476 : i32 to index
        %parallel_loop3A_483 = tpu.vector_load %arg9[%parallel_loop3A_481, %parallel_loop3A_482] {strides = array<i32>} : memref<16x1024xf32, #tpu.memory_space<vmem>>, vector<1x16xf32>,
        %parallel_loop3A_484 = vector.shape_cast %parallel_loop3A_483 : vector<1x16xf32> to vector<16xf32>
        %parallel_loop3A_485 = vector.shape_cast %parallel_loop3A_480 : vector<16xf32> to vector<1x16xf32>
        tpu.vector_store %arg9[%parallel_loop3A_481, %parallel_loop3A_482], %parallel_loop3A_485 {add = true, strides = array<i32>} : memref<16x1024xf32, #tpu.memory_space<vmem>>, vector<1x16xf32>,
      } {sc.loop_unroll_factor = 8 : i64, sc.parallel_access}
    } {sc.loop_unroll_factor = 1 : i64, sc.parallel_access}
    %add3A_302 = arith.constant 4096 : i32
    %add3A_303 = arith.addi %add3A_302, %mul3A_2 : i32
    %add3A_304 = arith.constant 16 : i32
    %add3A_305 = arith.addi %add3A_303, %add3A_304 : i32
    %dma_start3A_306 = arith.constant 0 : i32
    %dma_start3A_307 = tpu.memref_slice %arg4[%add3A_305, %dma_start3A_306] : memref<8192x1024xf32, #tpu.memory_space<hbm>> -> memref<16x1024xf32, #tpu.memory_space<hbm>>
    %dma_start3A_308 = arith.constant 0 : i32
    %dma_start3A_309 = tpu.memref_slice %arg4[%add3A_305, %dma_start3A_308] : memref<8192x1024xf32, #tpu.memory_space<hbm>> -> memref<16x1024xf32, #tpu.memory_space<hbm>>
    tpu.enqueue_dma source(%arg9 : memref<16x1024xf32, #tpu.memory_space<vmem>>) target(%dma_start3A_309 : memref<16x1024xf32, #tpu.memory_space<hbm>>) target_semaphore(%arg15 : memref<!tpu.dma_semaphore, #tpu.memory_space<semaphore_mem>>)
    %dma_wait3A_310 = arith.constant 0 : i32
    %dma_wait3A_311 = tpu.memref_slice %arg4[%add3A_278, %dma_wait3A_310] : memref<8192x1024xf32, #tpu.memory_space<hbm>> -> memref<16x1024xf32, #tpu.memory_space<hbm>>
    %dma_wait3A_312 = arith.constant 0 : i32
    %dma_wait3A_313 = tpu.memref_slice %arg4[%add3A_278, %dma_wait3A_312] : memref<8192x1024xf32, #tpu.memory_space<hbm>> -> memref<16x1024xf32, #tpu.memory_space<hbm>>
    tpu.wait_dma2 semaphore(%arg17 : memref<!tpu.dma_semaphore, #tpu.memory_space<semaphore_mem>>) src(%arg11 : memref<16x1024xf32, #tpu.memory_space<vmem>>) dst(%dma_wait3A_313 : memref<16x1024xf32, #tpu.memory_space<hbm>>)
    %add3A_314 = arith.constant 4096 : i32
    %add3A_315 = arith.addi %add3A_314, %mul3A_2 : i32
    %add3A_316 = arith.constant 48 : i32
    %add3A_317 = arith.addi %add3A_315, %add3A_316 : i32
    %dma_start3A_318 = arith.constant 0 : i32
    %dma_start3A_319 = tpu.memref_slice %arg2[%add3A_317, %dma_start3A_318] : memref<8192x1024xf32, #tpu.memory_space<hbm>> -> memref<16x1024xf32, #tpu.memory_space<hbm>>
    %dma_start3A_320 = arith.constant 0 : i32
    %dma_start3A_321 = tpu.memref_slice %arg2[%add3A_317, %dma_start3A_320] : memref<8192x1024xf32, #tpu.memory_space<hbm>> -> memref<16x1024xf32, #tpu.memory_space<hbm>>
    tpu.enqueue_dma source(%dma_start3A_321 : memref<16x1024xf32, #tpu.memory_space<hbm>>) target(%arg11 : memref<16x1024xf32, #tpu.memory_space<vmem>>) target_semaphore(%arg14 : memref<!tpu.dma_semaphore, #tpu.memory_space<semaphore_mem>>)
    %dma_wait3A_322 = arith.constant 0 : i32
    %dma_wait3A_323 = tpu.memref_slice %arg2[%add3A_290, %dma_wait3A_322] : memref<8192x1024xf32, #tpu.memory_space<hbm>> -> memref<16x1024xf32, #tpu.memory_space<hbm>>
    %dma_wait3A_324 = arith.constant 0 : i32
    %dma_wait3A_325 = tpu.memref_slice %arg2[%add3A_290, %dma_wait3A_324] : memref<8192x1024xf32, #tpu.memory_space<hbm>> -> memref<16x1024xf32, #tpu.memory_space<hbm>>
    tpu.wait_dma2 semaphore(%arg13 : memref<!tpu.dma_semaphore, #tpu.memory_space<semaphore_mem>>) src(%dma_wait3A_325 : memref<16x1024xf32, #tpu.memory_space<hbm>>) dst(%arg10 : memref<16x1024xf32, #tpu.memory_space<vmem>>)
    %parallel_loop3A_326 = arith.constant 0 : i32
    %parallel_loop3A_327 = arith.constant 16 : i32
    %parallel_loop3A_328 = arith.constant 1 : i32
    scf.for %parallel_loop3A_472 = %parallel_loop3A_326 to %parallel_loop3A_327 step %parallel_loop3A_328  : i32 {
      %parallel_loop3A_473 = arith.constant 0 : i32
      %parallel_loop3A_474 = arith.constant 1024 : i32
      %parallel_loop3A_475 = arith.constant 16 : i32
      scf.for %parallel_loop3A_476 = %parallel_loop3A_473 to %parallel_loop3A_474 step %parallel_loop3A_475  : i32 {
        %parallel_loop3A_477 = arith.index_cast %parallel_loop3A_472 : i32 to index
        %parallel_loop3A_478 = arith.index_cast %parallel_loop3A_476 : i32 to index
        %parallel_loop3A_479 = tpu.vector_load %arg7[%parallel_loop3A_477, %parallel_loop3A_478] {strides = array<i32>} : memref<16x1024xf32, #tpu.memory_space<vmem>>, vector<1x16xf32>,
        %parallel_loop3A_480 = vector.shape_cast %parallel_loop3A_479 : vector<1x16xf32> to vector<16xf32>
        %parallel_loop3A_481 = arith.index_cast %parallel_loop3A_472 : i32 to index
        %parallel_loop3A_482 = arith.index_cast %parallel_loop3A_476 : i32 to index
        %parallel_loop3A_483 = tpu.vector_load %arg10[%parallel_loop3A_481, %parallel_loop3A_482] {strides = array<i32>} : memref<16x1024xf32, #tpu.memory_space<vmem>>, vector<1x16xf32>,
        %parallel_loop3A_484 = vector.shape_cast %parallel_loop3A_483 : vector<1x16xf32> to vector<16xf32>
        %parallel_loop3A_485 = vector.shape_cast %parallel_loop3A_480 : vector<16xf32> to vector<1x16xf32>
        tpu.vector_store %arg10[%parallel_loop3A_481, %parallel_loop3A_482], %parallel_loop3A_485 {add = true, strides = array<i32>} : memref<16x1024xf32, #tpu.memory_space<vmem>>, vector<1x16xf32>,
      } {sc.loop_unroll_factor = 8 : i64, sc.parallel_access}
    } {sc.loop_unroll_factor = 1 : i64, sc.parallel_access}
    %add3A_329 = arith.constant 4096 : i32
    %add3A_330 = arith.addi %add3A_329, %mul3A_2 : i32
    %add3A_331 = arith.constant 32 : i32
    %add3A_332 = arith.addi %add3A_330, %add3A_331 : i32
    %dma_start3A_333 = arith.constant 0 : i32
    %dma_start3A_334 = tpu.memref_slice %arg4[%add3A_332, %dma_start3A_333] : memref<8192x1024xf32, #tpu.memory_space<hbm>> -> memref<16x1024xf32, #tpu.memory_space<hbm>>
    %dma_start3A_335 = arith.constant 0 : i32
    %dma_start3A_336 = tpu.memref_slice %arg4[%add3A_332, %dma_start3A_335] : memref<8192x1024xf32, #tpu.memory_space<hbm>> -> memref<16x1024xf32, #tpu.memory_space<hbm>>
    tpu.enqueue_dma source(%arg10 : memref<16x1024xf32, #tpu.memory_space<vmem>>) target(%dma_start3A_336 : memref<16x1024xf32, #tpu.memory_space<hbm>>) target_semaphore(%arg16 : memref<!tpu.dma_semaphore, #tpu.memory_space<semaphore_mem>>)
    %dma_wait3A_337 = arith.constant 0 : i32
    %dma_wait3A_338 = tpu.memref_slice %arg4[%add3A_305, %dma_wait3A_337] : memref<8192x1024xf32, #tpu.memory_space<hbm>> -> memref<16x1024xf32, #tpu.memory_space<hbm>>
    %dma_wait3A_339 = arith.constant 0 : i32
    %dma_wait3A_340 = tpu.memref_slice %arg4[%add3A_305, %dma_wait3A_339] : memref<8192x1024xf32, #tpu.memory_space<hbm>> -> memref<16x1024xf32, #tpu.memory_space<hbm>>
    tpu.wait_dma2 semaphore(%arg15 : memref<!tpu.dma_semaphore, #tpu.memory_space<semaphore_mem>>) src(%arg9 : memref<16x1024xf32, #tpu.memory_space<vmem>>) dst(%dma_wait3A_340 : memref<16x1024xf32, #tpu.memory_space<hbm>>)
    %add3A_341 = arith.constant 6144 : i32
    %add3A_342 = arith.addi %add3A_341, %mul3A_2 : i32
    %add3A_343 = arith.constant 0 : i32
    %add3A_344 = arith.addi %add3A_342, %add3A_343 : i32
    %dma_start3A_345 = arith.constant 0 : i32
    %dma_start3A_346 = tpu.memref_slice %arg2[%add3A_344, %dma_start3A_345] : memref<8192x1024xf32, #tpu.memory_space<hbm>> -> memref<16x1024xf32, #tpu.memory_space<hbm>>
    %dma_start3A_347 = arith.constant 0 : i32
    %dma_start3A_348 = tpu.memref_slice %arg2[%add3A_344, %dma_start3A_347] : memref<8192x1024xf32, #tpu.memory_space<hbm>> -> memref<16x1024xf32, #tpu.memory_space<hbm>>
    tpu.enqueue_dma source(%dma_start3A_348 : memref<16x1024xf32, #tpu.memory_space<hbm>>) target(%arg9 : memref<16x1024xf32, #tpu.memory_space<vmem>>) target_semaphore(%arg12 : memref<!tpu.dma_semaphore, #tpu.memory_space<semaphore_mem>>)
    %dma_wait3A_349 = arith.constant 0 : i32
    %dma_wait3A_350 = tpu.memref_slice %arg2[%add3A_317, %dma_wait3A_349] : memref<8192x1024xf32, #tpu.memory_space<hbm>> -> memref<16x1024xf32, #tpu.memory_space<hbm>>
    %dma_wait3A_351 = arith.constant 0 : i32
    %dma_wait3A_352 = tpu.memref_slice %arg2[%add3A_317, %dma_wait3A_351] : memref<8192x1024xf32, #tpu.memory_space<hbm>> -> memref<16x1024xf32, #tpu.memory_space<hbm>>
    tpu.wait_dma2 semaphore(%arg14 : memref<!tpu.dma_semaphore, #tpu.memory_space<semaphore_mem>>) src(%dma_wait3A_352 : memref<16x1024xf32, #tpu.memory_space<hbm>>) dst(%arg11 : memref<16x1024xf32, #tpu.memory_space<vmem>>)
    %parallel_loop3A_353 = arith.constant 0 : i32
    %parallel_loop3A_354 = arith.constant 16 : i32
    %parallel_loop3A_355 = arith.constant 1 : i32
    scf.for %parallel_loop3A_472 = %parallel_loop3A_353 to %parallel_loop3A_354 step %parallel_loop3A_355  : i32 {
      %parallel_loop3A_473 = arith.constant 0 : i32
      %parallel_loop3A_474 = arith.constant 1024 : i32
      %parallel_loop3A_475 = arith.constant 16 : i32
      scf.for %parallel_loop3A_476 = %parallel_loop3A_473 to %parallel_loop3A_474 step %parallel_loop3A_475  : i32 {
        %parallel_loop3A_477 = arith.index_cast %parallel_loop3A_472 : i32 to index
        %parallel_loop3A_478 = arith.index_cast %parallel_loop3A_476 : i32 to index
        %parallel_loop3A_479 = tpu.vector_load %arg8[%parallel_loop3A_477, %parallel_loop3A_478] {strides = array<i32>} : memref<16x1024xf32, #tpu.memory_space<vmem>>, vector<1x16xf32>,
        %parallel_loop3A_480 = vector.shape_cast %parallel_loop3A_479 : vector<1x16xf32> to vector<16xf32>
        %parallel_loop3A_481 = arith.index_cast %parallel_loop3A_472 : i32 to index
        %parallel_loop3A_482 = arith.index_cast %parallel_loop3A_476 : i32 to index
        %parallel_loop3A_483 = tpu.vector_load %arg11[%parallel_loop3A_481, %parallel_loop3A_482] {strides = array<i32>} : memref<16x1024xf32, #tpu.memory_space<vmem>>, vector<1x16xf32>,
        %parallel_loop3A_484 = vector.shape_cast %parallel_loop3A_483 : vector<1x16xf32> to vector<16xf32>
        %parallel_loop3A_485 = vector.shape_cast %parallel_loop3A_480 : vector<16xf32> to vector<1x16xf32>
        tpu.vector_store %arg11[%parallel_loop3A_481, %parallel_loop3A_482], %parallel_loop3A_485 {add = true, strides = array<i32>} : memref<16x1024xf32, #tpu.memory_space<vmem>>, vector<1x16xf32>,
      } {sc.loop_unroll_factor = 8 : i64, sc.parallel_access}
    } {sc.loop_unroll_factor = 1 : i64, sc.parallel_access}
    %add3A_356 = arith.constant 4096 : i32
    %add3A_357 = arith.addi %add3A_356, %mul3A_2 : i32
    %add3A_358 = arith.constant 48 : i32
    %add3A_359 = arith.addi %add3A_357, %add3A_358 : i32
    %dma_start3A_360 = arith.constant 0 : i32
    %dma_start3A_361 = tpu.memref_slice %arg4[%add3A_359, %dma_start3A_360] : memref<8192x1024xf32, #tpu.memory_space<hbm>> -> memref<16x1024xf32, #tpu.memory_space<hbm>>
    %dma_start3A_362 = arith.constant 0 : i32
    %dma_start3A_363 = tpu.memref_slice %arg4[%add3A_359, %dma_start3A_362] : memref<8192x1024xf32, #tpu.memory_space<hbm>> -> memref<16x1024xf32, #tpu.memory_space<hbm>>
    tpu.enqueue_dma source(%arg11 : memref<16x1024xf32, #tpu.memory_space<vmem>>) target(%dma_start3A_363 : memref<16x1024xf32, #tpu.memory_space<hbm>>) target_semaphore(%arg17 : memref<!tpu.dma_semaphore, #tpu.memory_space<semaphore_mem>>)
    %dma_wait3A_364 = arith.constant 0 : i32
    %dma_wait3A_365 = tpu.memref_slice %arg4[%add3A_332, %dma_wait3A_364] : memref<8192x1024xf32, #tpu.memory_space<hbm>> -> memref<16x1024xf32, #tpu.memory_space<hbm>>
    %dma_wait3A_366 = arith.constant 0 : i32
    %dma_wait3A_367 = tpu.memref_slice %arg4[%add3A_332, %dma_wait3A_366] : memref<8192x1024xf32, #tpu.memory_space<hbm>> -> memref<16x1024xf32, #tpu.memory_space<hbm>>
    tpu.wait_dma2 semaphore(%arg16 : memref<!tpu.dma_semaphore, #tpu.memory_space<semaphore_mem>>) src(%arg10 : memref<16x1024xf32, #tpu.memory_space<vmem>>) dst(%dma_wait3A_367 : memref<16x1024xf32, #tpu.memory_space<hbm>>)
    %add3A_368 = arith.constant 6144 : i32
    %add3A_369 = arith.addi %add3A_368, %mul3A_2 : i32
    %add3A_370 = arith.constant 16 : i32
    %add3A_371 = arith.addi %add3A_369, %add3A_370 : i32
    %dma_start3A_372 = arith.constant 0 : i32
    %dma_start3A_373 = tpu.memref_slice %arg2[%add3A_371, %dma_start3A_372] : memref<8192x1024xf32, #tpu.memory_space<hbm>> -> memref<16x1024xf32, #tpu.memory_space<hbm>>
    %dma_start3A_374 = arith.constant 0 : i32
    %dma_start3A_375 = tpu.memref_slice %arg2[%add3A_371, %dma_start3A_374] : memref<8192x1024xf32, #tpu.memory_space<hbm>> -> memref<16x1024xf32, #tpu.memory_space<hbm>>
    tpu.enqueue_dma source(%dma_start3A_375 : memref<16x1024xf32, #tpu.memory_space<hbm>>) target(%arg10 : memref<16x1024xf32, #tpu.memory_space<vmem>>) target_semaphore(%arg13 : memref<!tpu.dma_semaphore, #tpu.memory_space<semaphore_mem>>)
    %dma_wait3A_376 = arith.constant 0 : i32
    %dma_wait3A_377 = tpu.memref_slice %arg2[%add3A_344, %dma_wait3A_376] : memref<8192x1024xf32, #tpu.memory_space<hbm>> -> memref<16x1024xf32, #tpu.memory_space<hbm>>
    %dma_wait3A_378 = arith.constant 0 : i32
    %dma_wait3A_379 = tpu.memref_slice %arg2[%add3A_344, %dma_wait3A_378] : memref<8192x1024xf32, #tpu.memory_space<hbm>> -> memref<16x1024xf32, #tpu.memory_space<hbm>>
    tpu.wait_dma2 semaphore(%arg12 : memref<!tpu.dma_semaphore, #tpu.memory_space<semaphore_mem>>) src(%dma_wait3A_379 : memref<16x1024xf32, #tpu.memory_space<hbm>>) dst(%arg9 : memref<16x1024xf32, #tpu.memory_space<vmem>>)
    %parallel_loop3A_380 = arith.constant 0 : i32
    %parallel_loop3A_381 = arith.constant 16 : i32
    %parallel_loop3A_382 = arith.constant 1 : i32
    scf.for %parallel_loop3A_472 = %parallel_loop3A_380 to %parallel_loop3A_381 step %parallel_loop3A_382  : i32 {
      %parallel_loop3A_473 = arith.constant 0 : i32
      %parallel_loop3A_474 = arith.constant 1024 : i32
      %parallel_loop3A_475 = arith.constant 16 : i32
      scf.for %parallel_loop3A_476 = %parallel_loop3A_473 to %parallel_loop3A_474 step %parallel_loop3A_475  : i32 {
        %parallel_loop3A_477 = arith.index_cast %parallel_loop3A_472 : i32 to index
        %parallel_loop3A_478 = arith.index_cast %parallel_loop3A_476 : i32 to index
        %parallel_loop3A_479 = tpu.vector_load %arg5[%parallel_loop3A_477, %parallel_loop3A_478] {strides = array<i32>} : memref<16x1024xf32, #tpu.memory_space<vmem>>, vector<1x16xf32>,
        %parallel_loop3A_480 = vector.shape_cast %parallel_loop3A_479 : vector<1x16xf32> to vector<16xf32>
        %parallel_loop3A_481 = arith.index_cast %parallel_loop3A_472 : i32 to index
        %parallel_loop3A_482 = arith.index_cast %parallel_loop3A_476 : i32 to index
        %parallel_loop3A_483 = tpu.vector_load %arg9[%parallel_loop3A_481, %parallel_loop3A_482] {strides = array<i32>} : memref<16x1024xf32, #tpu.memory_space<vmem>>, vector<1x16xf32>,
        %parallel_loop3A_484 = vector.shape_cast %parallel_loop3A_483 : vector<1x16xf32> to vector<16xf32>
        %parallel_loop3A_485 = vector.shape_cast %parallel_loop3A_480 : vector<16xf32> to vector<1x16xf32>
        tpu.vector_store %arg9[%parallel_loop3A_481, %parallel_loop3A_482], %parallel_loop3A_485 {add = true, strides = array<i32>} : memref<16x1024xf32, #tpu.memory_space<vmem>>, vector<1x16xf32>,
      } {sc.loop_unroll_factor = 8 : i64, sc.parallel_access}
    } {sc.loop_unroll_factor = 1 : i64, sc.parallel_access}
    %add3A_383 = arith.constant 6144 : i32
    %add3A_384 = arith.addi %add3A_383, %mul3A_2 : i32
    %add3A_385 = arith.constant 0 : i32
    %add3A_386 = arith.addi %add3A_384, %add3A_385 : i32
    %dma_start3A_387 = arith.constant 0 : i32
    %dma_start3A_388 = tpu.memref_slice %arg4[%add3A_386, %dma_start3A_387] : memref<8192x1024xf32, #tpu.memory_space<hbm>> -> memref<16x1024xf32, #tpu.memory_space<hbm>>
    %dma_start3A_389 = arith.constant 0 : i32
    %dma_start3A_390 = tpu.memref_slice %arg4[%add3A_386, %dma_start3A_389] : memref<8192x1024xf32, #tpu.memory_space<hbm>> -> memref<16x1024xf32, #tpu.memory_space<hbm>>
    tpu.enqueue_dma source(%arg9 : memref<16x1024xf32, #tpu.memory_space<vmem>>) target(%dma_start3A_390 : memref<16x1024xf32, #tpu.memory_space<hbm>>) target_semaphore(%arg15 : memref<!tpu.dma_semaphore, #tpu.memory_space<semaphore_mem>>)
    %dma_wait3A_391 = arith.constant 0 : i32
    %dma_wait3A_392 = tpu.memref_slice %arg4[%add3A_359, %dma_wait3A_391] : memref<8192x1024xf32, #tpu.memory_space<hbm>> -> memref<16x1024xf32, #tpu.memory_space<hbm>>
    %dma_wait3A_393 = arith.constant 0 : i32
    %dma_wait3A_394 = tpu.memref_slice %arg4[%add3A_359, %dma_wait3A_393] : memref<8192x1024xf32, #tpu.memory_space<hbm>> -> memref<16x1024xf32, #tpu.memory_space<hbm>>
    tpu.wait_dma2 semaphore(%arg17 : memref<!tpu.dma_semaphore, #tpu.memory_space<semaphore_mem>>) src(%arg11 : memref<16x1024xf32, #tpu.memory_space<vmem>>) dst(%dma_wait3A_394 : memref<16x1024xf32, #tpu.memory_space<hbm>>)
    %add3A_395 = arith.constant 6144 : i32
    %add3A_396 = arith.addi %add3A_395, %mul3A_2 : i32
    %add3A_397 = arith.constant 32 : i32
    %add3A_398 = arith.addi %add3A_396, %add3A_397 : i32
    %dma_start3A_399 = arith.constant 0 : i32
    %dma_start3A_400 = tpu.memref_slice %arg2[%add3A_398, %dma_start3A_399] : memref<8192x1024xf32, #tpu.memory_space<hbm>> -> memref<16x1024xf32, #tpu.memory_space<hbm>>
    %dma_start3A_401 = arith.constant 0 : i32
    %dma_start3A_402 = tpu.memref_slice %arg2[%add3A_398, %dma_start3A_401] : memref<8192x1024xf32, #tpu.memory_space<hbm>> -> memref<16x1024xf32, #tpu.memory_space<hbm>>
    tpu.enqueue_dma source(%dma_start3A_402 : memref<16x1024xf32, #tpu.memory_space<hbm>>) target(%arg11 : memref<16x1024xf32, #tpu.memory_space<vmem>>) target_semaphore(%arg14 : memref<!tpu.dma_semaphore, #tpu.memory_space<semaphore_mem>>)
    %dma_wait3A_403 = arith.constant 0 : i32
    %dma_wait3A_404 = tpu.memref_slice %arg2[%add3A_371, %dma_wait3A_403] : memref<8192x1024xf32, #tpu.memory_space<hbm>> -> memref<16x1024xf32, #tpu.memory_space<hbm>>
    %dma_wait3A_405 = arith.constant 0 : i32
    %dma_wait3A_406 = tpu.memref_slice %arg2[%add3A_371, %dma_wait3A_405] : memref<8192x1024xf32, #tpu.memory_space<hbm>> -> memref<16x1024xf32, #tpu.memory_space<hbm>>
    tpu.wait_dma2 semaphore(%arg13 : memref<!tpu.dma_semaphore, #tpu.memory_space<semaphore_mem>>) src(%dma_wait3A_406 : memref<16x1024xf32, #tpu.memory_space<hbm>>) dst(%arg10 : memref<16x1024xf32, #tpu.memory_space<vmem>>)
    %parallel_loop3A_407 = arith.constant 0 : i32
    %parallel_loop3A_408 = arith.constant 16 : i32
    %parallel_loop3A_409 = arith.constant 1 : i32
    scf.for %parallel_loop3A_472 = %parallel_loop3A_407 to %parallel_loop3A_408 step %parallel_loop3A_409  : i32 {
      %parallel_loop3A_473 = arith.constant 0 : i32
      %parallel_loop3A_474 = arith.constant 1024 : i32
      %parallel_loop3A_475 = arith.constant 16 : i32
      scf.for %parallel_loop3A_476 = %parallel_loop3A_473 to %parallel_loop3A_474 step %parallel_loop3A_475  : i32 {
        %parallel_loop3A_477 = arith.index_cast %parallel_loop3A_472 : i32 to index
        %parallel_loop3A_478 = arith.index_cast %parallel_loop3A_476 : i32 to index
        %parallel_loop3A_479 = tpu.vector_load %arg6[%parallel_loop3A_477, %parallel_loop3A_478] {strides = array<i32>} : memref<16x1024xf32, #tpu.memory_space<vmem>>, vector<1x16xf32>,
        %parallel_loop3A_480 = vector.shape_cast %parallel_loop3A_479 : vector<1x16xf32> to vector<16xf32>
        %parallel_loop3A_481 = arith.index_cast %parallel_loop3A_472 : i32 to index
        %parallel_loop3A_482 = arith.index_cast %parallel_loop3A_476 : i32 to index
        %parallel_loop3A_483 = tpu.vector_load %arg10[%parallel_loop3A_481, %parallel_loop3A_482] {strides = array<i32>} : memref<16x1024xf32, #tpu.memory_space<vmem>>, vector<1x16xf32>,
        %parallel_loop3A_484 = vector.shape_cast %parallel_loop3A_483 : vector<1x16xf32> to vector<16xf32>
        %parallel_loop3A_485 = vector.shape_cast %parallel_loop3A_480 : vector<16xf32> to vector<1x16xf32>
        tpu.vector_store %arg10[%parallel_loop3A_481, %parallel_loop3A_482], %parallel_loop3A_485 {add = true, strides = array<i32>} : memref<16x1024xf32, #tpu.memory_space<vmem>>, vector<1x16xf32>,
      } {sc.loop_unroll_factor = 8 : i64, sc.parallel_access}
    } {sc.loop_unroll_factor = 1 : i64, sc.parallel_access}
    %add3A_410 = arith.constant 6144 : i32
    %add3A_411 = arith.addi %add3A_410, %mul3A_2 : i32
    %add3A_412 = arith.constant 16 : i32
    %add3A_413 = arith.addi %add3A_411, %add3A_412 : i32
    %dma_start3A_414 = arith.constant 0 : i32
    %dma_start3A_415 = tpu.memref_slice %arg4[%add3A_413, %dma_start3A_414] : memref<8192x1024xf32, #tpu.memory_space<hbm>> -> memref<16x1024xf32, #tpu.memory_space<hbm>>
    %dma_start3A_416 = arith.constant 0 : i32
    %dma_start3A_417 = tpu.memref_slice %arg4[%add3A_413, %dma_start3A_416] : memref<8192x1024xf32, #tpu.memory_space<hbm>> -> memref<16x1024xf32, #tpu.memory_space<hbm>>
    tpu.enqueue_dma source(%arg10 : memref<16x1024xf32, #tpu.memory_space<vmem>>) target(%dma_start3A_417 : memref<16x1024xf32, #tpu.memory_space<hbm>>) target_semaphore(%arg16 : memref<!tpu.dma_semaphore, #tpu.memory_space<semaphore_mem>>)
    %dma_wait3A_418 = arith.constant 0 : i32
    %dma_wait3A_419 = tpu.memref_slice %arg4[%add3A_386, %dma_wait3A_418] : memref<8192x1024xf32, #tpu.memory_space<hbm>> -> memref<16x1024xf32, #tpu.memory_space<hbm>>
    %dma_wait3A_420 = arith.constant 0 : i32
    %dma_wait3A_421 = tpu.memref_slice %arg4[%add3A_386, %dma_wait3A_420] : memref<8192x1024xf32, #tpu.memory_space<hbm>> -> memref<16x1024xf32, #tpu.memory_space<hbm>>
    tpu.wait_dma2 semaphore(%arg15 : memref<!tpu.dma_semaphore, #tpu.memory_space<semaphore_mem>>) src(%arg9 : memref<16x1024xf32, #tpu.memory_space<vmem>>) dst(%dma_wait3A_421 : memref<16x1024xf32, #tpu.memory_space<hbm>>)
    %add3A_422 = arith.constant 6144 : i32
    %add3A_423 = arith.addi %add3A_422, %mul3A_2 : i32
    %add3A_424 = arith.constant 48 : i32
    %add3A_425 = arith.addi %add3A_423, %add3A_424 : i32
    %dma_start3A_426 = arith.constant 0 : i32
    %dma_start3A_427 = tpu.memref_slice %arg2[%add3A_425, %dma_start3A_426] : memref<8192x1024xf32, #tpu.memory_space<hbm>> -> memref<16x1024xf32, #tpu.memory_space<hbm>>
    %dma_start3A_428 = arith.constant 0 : i32
    %dma_start3A_429 = tpu.memref_slice %arg2[%add3A_425, %dma_start3A_428] : memref<8192x1024xf32, #tpu.memory_space<hbm>> -> memref<16x1024xf32, #tpu.memory_space<hbm>>
    tpu.enqueue_dma source(%dma_start3A_429 : memref<16x1024xf32, #tpu.memory_space<hbm>>) target(%arg9 : memref<16x1024xf32, #tpu.memory_space<vmem>>) target_semaphore(%arg12 : memref<!tpu.dma_semaphore, #tpu.memory_space<semaphore_mem>>)
    %dma_wait3A_430 = arith.constant 0 : i32
    %dma_wait3A_431 = tpu.memref_slice %arg2[%add3A_398, %dma_wait3A_430] : memref<8192x1024xf32, #tpu.memory_space<hbm>> -> memref<16x1024xf32, #tpu.memory_space<hbm>>
    %dma_wait3A_432 = arith.constant 0 : i32
    %dma_wait3A_433 = tpu.memref_slice %arg2[%add3A_398, %dma_wait3A_432] : memref<8192x1024xf32, #tpu.memory_space<hbm>> -> memref<16x1024xf32, #tpu.memory_space<hbm>>
    tpu.wait_dma2 semaphore(%arg14 : memref<!tpu.dma_semaphore, #tpu.memory_space<semaphore_mem>>) src(%dma_wait3A_433 : memref<16x1024xf32, #tpu.memory_space<hbm>>) dst(%arg11 : memref<16x1024xf32, #tpu.memory_space<vmem>>)
    %parallel_loop3A_434 = arith.constant 0 : i32
    %parallel_loop3A_435 = arith.constant 16 : i32
    %parallel_loop3A_436 = arith.constant 1 : i32
    scf.for %parallel_loop3A_472 = %parallel_loop3A_434 to %parallel_loop3A_435 step %parallel_loop3A_436  : i32 {
      %parallel_loop3A_473 = arith.constant 0 : i32
      %parallel_loop3A_474 = arith.constant 1024 : i32
      %parallel_loop3A_475 = arith.constant 16 : i32
      scf.for %parallel_loop3A_476 = %parallel_loop3A_473 to %parallel_loop3A_474 step %parallel_loop3A_475  : i32 {
        %parallel_loop3A_477 = arith.index_cast %parallel_loop3A_472 : i32 to index
        %parallel_loop3A_478 = arith.index_cast %parallel_loop3A_476 : i32 to index
        %parallel_loop3A_479 = tpu.vector_load %arg7[%parallel_loop3A_477, %parallel_loop3A_478] {strides = array<i32>} : memref<16x1024xf32, #tpu.memory_space<vmem>>, vector<1x16xf32>,
        %parallel_loop3A_480 = vector.shape_cast %parallel_loop3A_479 : vector<1x16xf32> to vector<16xf32>
        %parallel_loop3A_481 = arith.index_cast %parallel_loop3A_472 : i32 to index
        %parallel_loop3A_482 = arith.index_cast %parallel_loop3A_476 : i32 to index
        %parallel_loop3A_483 = tpu.vector_load %arg11[%parallel_loop3A_481, %parallel_loop3A_482] {strides = array<i32>} : memref<16x1024xf32, #tpu.memory_space<vmem>>, vector<1x16xf32>,
        %parallel_loop3A_484 = vector.shape_cast %parallel_loop3A_483 : vector<1x16xf32> to vector<16xf32>
        %parallel_loop3A_485 = vector.shape_cast %parallel_loop3A_480 : vector<16xf32> to vector<1x16xf32>
        tpu.vector_store %arg11[%parallel_loop3A_481, %parallel_loop3A_482], %parallel_loop3A_485 {add = true, strides = array<i32>} : memref<16x1024xf32, #tpu.memory_space<vmem>>, vector<1x16xf32>,
      } {sc.loop_unroll_factor = 8 : i64, sc.parallel_access}
    } {sc.loop_unroll_factor = 1 : i64, sc.parallel_access}
    %add3A_437 = arith.constant 6144 : i32
    %add3A_438 = arith.addi %add3A_437, %mul3A_2 : i32
    %add3A_439 = arith.constant 32 : i32
    %add3A_440 = arith.addi %add3A_438, %add3A_439 : i32
    %dma_start3A_441 = arith.constant 0 : i32
    %dma_start3A_442 = tpu.memref_slice %arg4[%add3A_440, %dma_start3A_441] : memref<8192x1024xf32, #tpu.memory_space<hbm>> -> memref<16x1024xf32, #tpu.memory_space<hbm>>
    %dma_start3A_443 = arith.constant 0 : i32
    %dma_start3A_444 = tpu.memref_slice %arg4[%add3A_440, %dma_start3A_443] : memref<8192x1024xf32, #tpu.memory_space<hbm>> -> memref<16x1024xf32, #tpu.memory_space<hbm>>
    tpu.enqueue_dma source(%arg11 : memref<16x1024xf32, #tpu.memory_space<vmem>>) target(%dma_start3A_444 : memref<16x1024xf32, #tpu.memory_space<hbm>>) target_semaphore(%arg17 : memref<!tpu.dma_semaphore, #tpu.memory_space<semaphore_mem>>)
    %dma_wait3A_445 = arith.constant 0 : i32
    %dma_wait3A_446 = tpu.memref_slice %arg2[%add3A_425, %dma_wait3A_445] : memref<8192x1024xf32, #tpu.memory_space<hbm>> -> memref<16x1024xf32, #tpu.memory_space<hbm>>
    %dma_wait3A_447 = arith.constant 0 : i32
    %dma_wait3A_448 = tpu.memref_slice %arg2[%add3A_425, %dma_wait3A_447] : memref<8192x1024xf32, #tpu.memory_space<hbm>> -> memref<16x1024xf32, #tpu.memory_space<hbm>>
    tpu.wait_dma2 semaphore(%arg12 : memref<!tpu.dma_semaphore, #tpu.memory_space<semaphore_mem>>) src(%dma_wait3A_448 : memref<16x1024xf32, #tpu.memory_space<hbm>>) dst(%arg9 : memref<16x1024xf32, #tpu.memory_space<vmem>>)
    %parallel_loop3A_449 = arith.constant 0 : i32
    %parallel_loop3A_450 = arith.constant 16 : i32
    %parallel_loop3A_451 = arith.constant 1 : i32
    scf.for %parallel_loop3A_472 = %parallel_loop3A_449 to %parallel_loop3A_450 step %parallel_loop3A_451  : i32 {
      %parallel_loop3A_473 = arith.constant 0 : i32
      %parallel_loop3A_474 = arith.constant 1024 : i32
      %parallel_loop3A_475 = arith.constant 16 : i32
      scf.for %parallel_loop3A_476 = %parallel_loop3A_473 to %parallel_loop3A_474 step %parallel_loop3A_475  : i32 {
        %parallel_loop3A_477 = arith.index_cast %parallel_loop3A_472 : i32 to index
        %parallel_loop3A_478 = arith.index_cast %parallel_loop3A_476 : i32 to index
        %parallel_loop3A_479 = tpu.vector_load %arg8[%parallel_loop3A_477, %parallel_loop3A_478] {strides = array<i32>} : memref<16x1024xf32, #tpu.memory_space<vmem>>, vector<1x16xf32>,
        %parallel_loop3A_480 = vector.shape_cast %parallel_loop3A_479 : vector<1x16xf32> to vector<16xf32>
        %parallel_loop3A_481 = arith.index_cast %parallel_loop3A_472 : i32 to index
        %parallel_loop3A_482 = arith.index_cast %parallel_loop3A_476 : i32 to index
        %parallel_loop3A_483 = tpu.vector_load %arg9[%parallel_loop3A_481, %parallel_loop3A_482] {strides = array<i32>} : memref<16x1024xf32, #tpu.memory_space<vmem>>, vector<1x16xf32>,
        %parallel_loop3A_484 = vector.shape_cast %parallel_loop3A_483 : vector<1x16xf32> to vector<16xf32>
        %parallel_loop3A_485 = vector.shape_cast %parallel_loop3A_480 : vector<16xf32> to vector<1x16xf32>
        tpu.vector_store %arg9[%parallel_loop3A_481, %parallel_loop3A_482], %parallel_loop3A_485 {add = true, strides = array<i32>} : memref<16x1024xf32, #tpu.memory_space<vmem>>, vector<1x16xf32>,
      } {sc.loop_unroll_factor = 8 : i64, sc.parallel_access}
    } {sc.loop_unroll_factor = 1 : i64, sc.parallel_access}
    %add3A_452 = arith.constant 6144 : i32
    %add3A_453 = arith.addi %add3A_452, %mul3A_2 : i32
    %add3A_454 = arith.constant 48 : i32
    %add3A_455 = arith.addi %add3A_453, %add3A_454 : i32
    %dma_start3A_456 = arith.constant 0 : i32
    %dma_start3A_457 = tpu.memref_slice %arg4[%add3A_455, %dma_start3A_456] : memref<8192x1024xf32, #tpu.memory_space<hbm>> -> memref<16x1024xf32, #tpu.memory_space<hbm>>
    %dma_start3A_458 = arith.constant 0 : i32
    %dma_start3A_459 = tpu.memref_slice %arg4[%add3A_455, %dma_start3A_458] : memref<8192x1024xf32, #tpu.memory_space<hbm>> -> memref<16x1024xf32, #tpu.memory_space<hbm>>
    tpu.enqueue_dma source(%arg9 : memref<16x1024xf32, #tpu.memory_space<vmem>>) target(%dma_start3A_459 : memref<16x1024xf32, #tpu.memory_space<hbm>>) target_semaphore(%arg15 : memref<!tpu.dma_semaphore, #tpu.memory_space<semaphore_mem>>)
    %dma_wait3A_460 = arith.constant 0 : i32
    %dma_wait3A_461 = tpu.memref_slice %arg4[%add3A_455, %dma_wait3A_460] : memref<8192x1024xf32, #tpu.memory_space<hbm>> -> memref<16x1024xf32, #tpu.memory_space<hbm>>
    %dma_wait3A_462 = arith.constant 0 : i32
    %dma_wait3A_463 = tpu.memref_slice %arg4[%add3A_455, %dma_wait3A_462] : memref<8192x1024xf32, #tpu.memory_space<hbm>> -> memref<16x1024xf32, #tpu.memory_space<hbm>>
    tpu.wait_dma2 semaphore(%arg15 : memref<!tpu.dma_semaphore, #tpu.memory_space<semaphore_mem>>) src(%arg9 : memref<16x1024xf32, #tpu.memory_space<vmem>>) dst(%dma_wait3A_463 : memref<16x1024xf32, #tpu.memory_space<hbm>>)
    %dma_wait3A_464 = arith.constant 0 : i32
    %dma_wait3A_465 = tpu.memref_slice %arg4[%add3A_413, %dma_wait3A_464] : memref<8192x1024xf32, #tpu.memory_space<hbm>> -> memref<16x1024xf32, #tpu.memory_space<hbm>>
    %dma_wait3A_466 = arith.constant 0 : i32
    %dma_wait3A_467 = tpu.memref_slice %arg4[%add3A_413, %dma_wait3A_466] : memref<8192x1024xf32, #tpu.memory_space<hbm>> -> memref<16x1024xf32, #tpu.memory_space<hbm>>
    tpu.wait_dma2 semaphore(%arg16 : memref<!tpu.dma_semaphore, #tpu.memory_space<semaphore_mem>>) src(%arg10 : memref<16x1024xf32, #tpu.memory_space<vmem>>) dst(%dma_wait3A_467 : memref<16x1024xf32, #tpu.memory_space<hbm>>)
    %dma_wait3A_468 = arith.constant 0 : i32
    %dma_wait3A_469 = tpu.memref_slice %arg4[%add3A_440, %dma_wait3A_468] : memref<8192x1024xf32, #tpu.memory_space<hbm>> -> memref<16x1024xf32, #tpu.memory_space<hbm>>
    %dma_wait3A_470 = arith.constant 0 : i32
    %dma_wait3A_471 = tpu.memref_slice %arg4[%add3A_440, %dma_wait3A_470] : memref<8192x1024xf32, #tpu.memory_space<hbm>> -> memref<16x1024xf32, #tpu.memory_space<hbm>>
    tpu.wait_dma2 semaphore(%arg17 : memref<!tpu.dma_semaphore, #tpu.memory_space<semaphore_mem>>) src(%arg11 : memref<16x1024xf32, #tpu.memory_space<vmem>>) dst(%dma_wait3A_471 : memref<16x1024xf32, #tpu.memory_space<hbm>>)
    return
  }
}

</mosaic_0001>

<sc_bundles>
// kernel: kernel.3.cloned.1.call-start
scs
__scs_entry_jumppad:
0x0: {  	(pc) =	sbr.rel $0x88, $3  }
0x1: {  	(tag) =	ssettag $0x0;
	lr =	simm.s32 $0x1  }
0x2: {  	[smem:$0x3F9F] =	sst lr;
	_ =	strace $0xD0000000  }
0x3: {  	_ = 	snop  }
0x4: {  	_ = 	snop  }
0x5: {  	_ = 	snop  }
0x6: {  	_ = 	snop  }
0x7: {  	_ = 	snop  }
__scs_overlays_trampoline_lowered:
0x8: {  	[smem:$0x3FAE] =	sst s0  }
0x9: {  	[smem:$0x3FAF] =	sst s1  }
0xa: {  	[smem:$0x3FB0] =	sst s2  }
0xb: {  	[smem:$0x3FB1] =	sst s3  }
0xc: {  	[smem:$0x3FB2] =	sst s4  }
0xd: {  	[smem:$0x3FB3] =	sst s5  }
0xe: {  	[smem:$0x3FB4] =	sst s6  }
0xf: {  	[smem:$0x3FB5] =	sst s7  }
0x10: {  	[smem:$0x3FB6] =	sst s8  }
0x11: {  	[smem:$0x3FB7] =	sst s9;
	s0 =	simm.s32 @!p0 $0x0  }
0x12: {  	s1 =	sld [smem:$0x3F9D];
	s0 =	simm.s32 @p0 $0x1  }
0x13: {  	[smem:$0x3FB8] =	sst s0;
	s0 =	simm.s32 @!p1 $0x0  }
0x14: {  	s2 =	sld [smem:$0x3F9C];
	s0 =	simm.s32 @p1 $0x1  }
0x15: {  	[smem:$0x3FB9] =	sst s0;
	s0 =	simm.s32 @!p2 $0x0  }
0x16: {  	s3 =	sld [smem:$0x3FDB];
	s0 =	simm.s32 @p2 $0x1  }
0x17: {  	s4 =	simm.s32 $0x1BF5;
	[smem:$0x3FBB] =	sst s0  }
0x18: {  	s0 =	sld [smem:$0x3F9E];
	_ =	swait.ge [sflag:s4], $0x0  }
0x19: {  	s7 =	sld [smem:$0x3F9F]  }
0x1a: {  	s8 =	sadd.s32 $0xFFFFE003, lr  }
0x1b: {  	s9 =	sadd.s32 $0xFFFFFEF7, lr;
	s5 =	simm.s32 $0xFFFFFFFF;
	p2 =	slt.u32 s8, $0xFFFFF086  }
0x1c: {  	p1 =	slt.u32 s9, $0xF7A;
	s5 =	simm.s32 @!p2 $0x0  }
0x1d: {  	s5 =	simm.s32 @p1 $0x1;
	p0 =	seq.s32 s7, s2  }
0x1e: {  	s7 =	smul.u32 @!p0 $0xF7A, s2;
	p2 =	seq.s32 @!p0 s5, $0x0  }
0x1f: {  	s9 =	smul.u32 $0xF7A, s1;
	s8 =	simm.s32 @!p0 $0x1BF5;
	p2 =	por !p2, p0  }
0x20: {  	[sflag:s8] =	ssyncset.s32 @!p0 $0xFFFFF086;
	s6 =	sadd.s32 @!p0 s3, s7;
	s7 =	simm.s32 @!p0 $0x108  }
0x21: {  	s3 =	sadd.s32 s3, s9;
	s6 =	sadd.s32 @!p0 $0x88, s6;
	s7 =	simm.s32 @p2 $0x1082  }
0x22: {  	[simem:s7], [sflag:s8] =	dma.local @!p0 [hbm:s6], $0xF7A  }
0x23: {  	s9 =	sor.u32 $0xD0000000, s2;
	s6 =	simm.s32 $0x108;
	_ =	swait.ge @!p0 [sflag:s8], $0x0  }
0x24: {  	s3 =	sadd.s32 $0x88, s3;
	s6 =	simm.s32 @!p1 $0x1082;
	[sflag:s4] =	ssyncset.s32 $0xFFFFF086  }
0x25: {  	[simem:s6], [sflag:s4] =	dma.local [hbm:s3], $0xF7A  }
0x26: {  	[smem:$0x3F9F] =	sst s1;
	(tag) =	ssettag s2;
	_ =	strace s9  }
0x27: {  	s1 =	sld [smem:$0x3FAF]  }
0x28: {  	s2 =	sld [smem:$0x3FB0]  }
0x29: {  	s4 =	sld [smem:$0x3FB2]  }
0x2a: {  	p0 =	seq.s32 s5, $0x0;
	s5 =	sld [smem:$0x3FB3]  }
0x2b: {  	s6 =	sld [smem:$0x3FB4]  }
0x2c: {  	s7 =	sld [smem:$0x3FB5]  }
0x2d: {  	s3 =	simm.s32 $0x108;
	s8 =	sld [smem:$0x3FB6]  }
0x2e: {  	s3 =	simm.s32 @!p0 $0x1082;
	s9 =	sld [smem:$0x3FB7]  }
0x2f: {  	lr =	sadd.s32 s0, s3;
	s0 =	sld [smem:$0x3FAE]  }
0x30: {  	s3 =	sld [smem:$0x3FB1]  }
0x31: {  	[smem:$0x3FBA] =	sst s10  }
0x32: {  	s10 =	sld [smem:$0x3FB8];
	_ =	sdelay $0x3  }
0x33: {  	p0 =	seq.s32 s10, $0x1;
	s10 =	sld [smem:$0x3FBA];
	_ =	sdelay $0x3  }
0x34: {  	[smem:$0x3FBA] =	sst s10  }
0x35: {  	s10 =	sld [smem:$0x3FB9];
	_ =	sdelay $0x3  }
0x36: {  	p1 =	seq.s32 s10, $0x1;
	s10 =	sld [smem:$0x3FBA];
	_ =	sdelay $0x3  }
0x37: {  	[smem:$0x3FBA] =	sst s10  }
0x38: {  	s10 =	sld [smem:$0x3FBB]  }
0x39: {  	_ = 	snop;
	(pc) =	sbr.ind lr, $3  }
0x3a: {  	_ = 	snop  }
0x3b: {  	_ = 	snop  }
0x3c: {  	p2 =	seq.s32 s10, $0x1;
	s10 =	sld [smem:$0x3FBA]  }
0x3d: {  	_ =	shalt  }
0x3e: {  	_ =	shalt  }
0x3f: {  	_ =	shalt  }
0x40: {  	_ =	shalt  }
0x41: {  	_ =	shalt  }
0x42: {  	_ =	shalt  }
0x43: {  	_ =	shalt  }
0x44: {  	_ =	shalt  }
0x45: {  	_ =	shalt  }
0x46: {  	_ =	shalt  }
0x47: {  	_ =	shalt  }
0x48: {  	_ =	shalt  }
0x49: {  	_ =	shalt  }
0x4a: {  	_ =	shalt  }
0x4b: {  	_ =	shalt  }
0x4c: {  	_ =	shalt  }
0x4d: {  	_ =	shalt  }
0x4e: {  	_ =	shalt  }
0x4f: {  	_ =	shalt  }
0x50: {  	_ =	shalt  }
0x51: {  	_ =	shalt  }
0x52: {  	_ =	shalt  }
0x53: {  	_ =	shalt  }
0x54: {  	_ =	shalt  }
0x55: {  	_ =	shalt  }
0x56: {  	_ =	shalt  }
0x57: {  	_ =	shalt  }
0x58: {  	_ =	shalt  }
0x59: {  	_ =	shalt  }
0x5a: {  	_ =	shalt  }
0x5b: {  	_ =	shalt  }
0x5c: {  	_ =	shalt  }
0x5d: {  	_ =	shalt  }
0x5e: {  	_ =	shalt  }
0x5f: {  	_ =	shalt  }
0x60: {  	_ =	shalt  }
0x61: {  	_ =	shalt  }
0x62: {  	_ =	shalt  }
0x63: {  	_ =	shalt  }
0x64: {  	_ =	shalt  }
0x65: {  	_ =	shalt  }
0x66: {  	_ =	shalt  }
0x67: {  	_ =	shalt  }
0x68: {  	_ =	shalt  }
0x69: {  	_ =	shalt  }
0x6a: {  	_ =	shalt  }
0x6b: {  	_ =	shalt  }
0x6c: {  	_ =	shalt  }
0x6d: {  	_ =	shalt  }
0x6e: {  	_ =	shalt  }
0x6f: {  	_ =	shalt  }
0x70: {  	_ =	shalt  }
0x71: {  	_ =	shalt  }
0x72: {  	_ =	shalt  }
0x73: {  	_ =	shalt  }
0x74: {  	_ =	shalt  }
0x75: {  	_ =	shalt  }
0x76: {  	_ =	shalt  }
0x77: {  	_ =	shalt  }
0x78: {  	_ =	shalt  }
0x79: {  	_ =	shalt  }
0x7a: {  	_ =	shalt  }
0x7b: {  	_ =	shalt  }
0x7c: {  	_ =	shalt  }
0x7d: {  	_ =	shalt  }
0x7e: {  	_ =	shalt  }
0x7f: {  	_ =	shalt  }
0x80: {  	_ =	shalt  }
0x81: {  	_ =	shalt  }
0x82: {  	_ =	shalt  }
0x83: {  	_ =	shalt  }
0x84: {  	_ =	shalt  }
0x85: {  	_ =	shalt  }
0x86: {  	_ =	shalt  }
0x87: {  	_ =	shalt  }
.Lfunc_end0:
.L_simem_size_0:
called_computation_lowered:
.L_overlay_start_0:
0x88: {  	s2 =	sld [smem:$0x3FD9]  }
0x89: {  	s3 =	sld [smem:$0x3FFE];
	_ =	sdelay $0x1  }
0x8a: {  	s1 =	srdreg.scid  }
0x8b: {  	s0 =	sand.u32 $0x1, s1  }
0x8c: {  	s18 =	sshll.u32 s0, $0xA;
	s2 =	sadd.s32 s3, s2  }
0x8d: {  	s2 =	sadd.s32 s2, s18  }
0x8e: {  	[smem:$0x3FC6] =	sst s2  }
0x8f: {  	_ = 	snop  }
0x90: {  	s2 =	sld [smem:$0x3FC9]  }
0x91: {  	s19 =	sld [smem:$0x3FC8]  }
0x92: {  	s4 =	sld [smem:$0x3FD0];
	(tm) =	ssettm $0x1  }
0x93: {  	s5 =	sld [smem:$0x3FFB];
	_ =	sdelay $0x3  }
0x94: {  	_ =	strace s5  }
0x95: {  	s5 =	sld [smem:$0x3FFC];
	_ =	sdelay $0x3  }
0x96: {  	_ =	strace s5  }
0x97: {  	s5 =	sld [smem:$0x3FFD];
	_ =	sdelay $0x3  }
0x98: {  	_ =	strace s5  }
0x99: {  	_ =	strace $0x8FFFFFFF  }
0x9a: {  	s20 =	sld [smem:$0x3FDB];
	_ =	sdelay $0x1  }
0x9b: {  	s6 =	simm.s32 $_scs_section_size  }
0x9c: {  	s7 =	simm.s32 $_size__tile_overlayer_lowered;
	s8 =	simm.s32 $_tile_overlayer_lowered  }
0x9d: {  	s23 =	simm.s32 $0x1BFF;
	s22 =	sshll.u32 s8, $0x1;
	s5 =	sadd.s32 s6, s20  }
0x9e: {  	s9 =	simm.s32 $0x0;
	s21 =	sshll.u32 s7, $0x1;
	s7 =	sadd.s32 s22, s5  }
0x9f: {  	[timem:s9], [sflag:s23] =	dma.local [hbm:s7], s21  }
0xa0: {  	_ =	swait.ge [sflag:s23], s21  }
0xa1: {  	s6 =	ssub.s32 $0x0, s21;
	[sflag:s23] =	ssyncset.done $0x0  }
0xa2: {  	[sflag:s23] =	ssyncadd.s32 s6;
	_ =	sdelay $0x1  }
0xa3: {  	s24 =	simm.s32 $0x1B8B  }
0xa4: {  	_ =	swait.ge [sflag:s24], $0x1  }
0xa5: {  	[sflag:s24] =	ssyncset.done $0x0  }
0xa6: {  	s25 =	simm.s32 $0x1B8E;
	[sflag:s24] =	ssyncadd.s32 $0xFFFFFFFF  }
0xa7: {  	s26 =	simm.s32 $execute0_lowered;
	[smem:$0x3FD2] =	sst s25  }
0xa8: {  	s6 =	sshll.u32 s26, $0x1;
	_ =	strace $0x80000046;
	[dreg:$0x1] =	wrdreg $0xFFFFFFFF  }
0xa9: {  	s28 =	simm.s32 $_size_execute0_lowered;
	s5 =	sadd.s32 s5, s6;
	[dreg:$0x0] =	wrdreg $0x0  }
0xaa: {  	s6 =	sshll.u32 s28, $0x1;
	[dreg:$0x2] =	wrdreg s5  }
0xab: {  	[dreg:$0x3] =	wrdreg s6  }
0xac: {  	[dreg:$0x4] =	wrdreg $0xC0  }
0xad: {  	_ =	task [dreg:s9], $0x5FFFF  }
0xae: {  	[dreg:$0x1] =	wrdreg $0xFFFFFFFF  }
0xaf: {  	[dreg:$0x0] =	wrdreg $0x60  }
0xb0: {  	[dreg:$0x2] =	wrdreg s2  }
0xb1: {  	[dreg:$0x3] =	wrdreg s19  }
0xb2: {  	[dreg:$0x4] =	wrdreg s4  }
0xb3: {  	[dreg:$0x5] =	wrdreg $0x9  }
0xb4: {  	_ =	task.clear_ibuf [dreg:s9], $0x6FFFF;
	_ =	strace $0x90000046  }
0xb5: {  	s29 =	simm.s32 $0x9;
	_ =	strace $0x80000048  }
0xb6: {  	_ =	swait.ge [sflag:s29], $0x1  }
0xb7: {  	[sflag:s29] =	ssyncadd.s32 $0xFFFFFFFF  }
0xb8: {  	_ =	strace $0x90000048  }
0xb9: {  	_ =	sfence  }
0xba: {  	s30 =	sld [smem:$0x0];
	_ =	sdelay $0x2  }
0xbb: {  	s31 =	sshll.u32 s1, $0xD;
	s1 =	sshrl.u32 s1, $0x2  }
0xbc: {  	s3 =	sand.u32 $0x4000, s31;
	s1 =	sadd.s32 s1, s30  }
0xbd: {  	s0 =	sor.u32 s3, s0;
	s1 =	sshll.u32 s1, $0x11  }
0xbe: {  	s0 =	sor.u32 s1, s0  }
0xbf: {  	s0 =	sadd.s32 $0x8F2B, s0  }
0xc0: {  	[sflag:s0] =	ssyncadd.remote.s32 $0x1  }
0xc1: {  	_ =	sfence.sel $0xFFFF  }
0xc2: {  	[dreg:$0x0] =	wrdreg $0xFFFFFFFF;
	(pc) =	sbr.abs _section_cstart, $3  }
0xc3: {  	[dreg:$0x1] =	wrdreg $0xFFFFFFFF  }
0xc4: {  	_ =	task.clear_ibuf [dreg:s9], $0x2FFFF;
	_ =	strace $0x9FFFFFFF  }
0xc5: {  	(tm) =	ssettm $0x7FFFFFFF  }
tec
execute0_lowered:
.L_overlay_start_1:
0x0: {  	(tag) =	ssettag $0x1  }
0x1: {  	s5 =	rddreg [dreg:$0x0];
	s2 =	srdreg.scid  }
0x2: {  	s0 =	rddreg [dreg:$0x1];
	s4 =	stileid.u32;
	s2 =	sand.u32 $0x1, s2  }
0x3: {  	s4 =	sshll.u32 s4, $0xE;
	s3 =	ssub.s32 $0x2, s2;
	s2 =	sshll.u32 s2, $0xD  }
0x4: {  	s7 =	rddreg [dreg:$0x2];
	s1 =	simm.s32 $0x0;
	s4 =	sor.u32 s2, s4  }
0x5: {  	[smem:$0x7FF] =	sst s1;
	s2 =	sadd.s32 s0, s4;
	s21 =	sor.u32 $0x800, s4  }
0x6: {  	s6 =	sshrl.u32 s3, $0x1;
	[dreg:$0x4] =	wrdreg s2;
	s22 =	sadd.s32 s0, s21  }
0x7: {  	s23 =	sor.u32 $0x1000, s4;
	s9 =	sadd.s32 s5, s21;
	[dreg:$0x5] =	wrdreg s22  }
0x8: {  	s24 =	sor.u32 $0x1800, s4;
	s25 =	sadd.s32 s0, s23;
	[dreg:$0x6] =	wrdreg s9  }
0x9: {  	s8 =	ssub.s32 s3, s6;
	s0 =	sadd.s32 s0, s24;
	[dreg:$0x7] =	wrdreg s25  }
0xa: {  	s29 =	sor.u32 $0x40000, s4;
	s26 =	sadd.s32 s5, s23;
	[dreg:$0x8] =	wrdreg s0  }
0xb: {  	s10 =	sor.u32 $0x41000, s4;
	s28 =	sadd.s32 s7, s21;
	[dreg:$0x9] =	wrdreg s26  }
0xc: {  	s14 =	sor.u32 $0x41800, s4;
	s30 =	sadd.s32 s5, s24;
	[dreg:$0xa] =	wrdreg s28  }
0xd: {  	s15 =	sor.u32 $0x80000, s4;
	s31 =	sadd.s32 s7, s23;
	[dreg:$0xb] =	wrdreg s30  }
0xe: {  	s19 =	sor.u32 $0x80800, s4;
	s3 =	sadd.s32 s5, s29;
	[dreg:$0xc] =	wrdreg s31  }
0xf: {  	s6 =	sadd.s32 s7, s24;
	s12 =	sadd.s32 s5, s10;
	[dreg:$0xd] =	wrdreg s3  }
0x10: {  	s16 =	sadd.s32 s5, s14;
	s17 =	sadd.s32 s5, s15;
	[dreg:$0xe] =	wrdreg s6  }
0x11: {  	s18 =	sadd.s32 s7, s15;
	s20 =	sadd.s32 s5, s19;
	[dreg:$0x11] =	wrdreg s12  }
0x12: {  	s21 =	sor.u32 $0x81000, s4;
	s23 =	sor.u32 $0x81800, s4;
	[dreg:$0x13] =	wrdreg s16  }
0x13: {  	s2 =	sadd.s32 s5, s4;
	s8 =	smax.u32 s8, $0x1;
	[dreg:$0x15] =	wrdreg s17  }
0x14: {  	s15 =	simm.s32 $0x2;
	s9 =	sor.u32 $0x40800, s4;
	[dreg:$0x17] =	wrdreg s18  }
0x15: {  	s0 =	sadd.s32 s7, s29;
	s3 =	sadd.s32 s7, s10;
	[dreg:$0x18] =	wrdreg s20  }
0x16: {  	s22 =	sadd.s32 s5, s21;
	s24 =	sadd.s32 s5, s23;
	s25 =	sor.u32 $0xC0000, s4  }
0x17: {  	s28 =	sor.u32 $0xC0800, s4;
	s30 =	sor.u32 $0xC1000, s4;
	s31 =	sor.u32 $0xC1800, s4  }
0x18: {  	s10 =	simm.s32 $0x14000;
	s12 =	simm.s32 $0x1;
	[dreg:$0x10] =	wrdreg s0  }
0x19: {  	s16 =	simm.s32 $0x4;
	s17 =	simm.s32 $0x9;
	[dreg:$0x14] =	wrdreg s3  }
0x1a: {  	s18 =	simm.s32 $0x3;
	s20 =	simm.s32 $0xA;
	[dreg:$0x1a] =	wrdreg s22  }
0x1b: {  	s11 =	sadd.s32 s5, s9;
	s13 =	sadd.s32 s7, s9;
	[dreg:$0x1c] =	wrdreg s24  }
0x1c: {  	s0 =	sadd.s32 s7, s14;
	s26 =	sadd.s32 s5, s25;
	[dreg:$0xf] =	wrdreg s11  }
0x1d: {  	s29 =	sadd.s32 s5, s28;
	s3 =	sadd.s32 s7, s4;
	[dreg:$0x12] =	wrdreg s13  }
0x1e: {  	s4 =	sadd.s32 s5, s30;
	s5 =	sadd.s32 s5, s31;
	[dreg:$0x16] =	wrdreg s0  }
0x1f: {  	s6 =	sadd.s32 s7, s30;
	s9 =	simm.s32 $0x10000;
	[dreg:$0x1e] =	wrdreg s26  }
0x20: {  	s14 =	simm.s32 $0x8;
	s0 =	sadd.s32 s7, s19;
	[smem:$0x7FD] =	sst s29  }
0x21: {  	s22 =	simm.s32 $0x0;
	[dreg:$0x19] =	wrdreg s0;
	s0 =	sadd.s32 s7, s21  }
0x22: {  	s11 =	simm.s32 $0x7;
	[dreg:$0x1b] =	wrdreg s0;
	s0 =	sadd.s32 s7, s23  }
0x23: {  	s13 =	simm.s32 $0x18000;
	[dreg:$0x1d] =	wrdreg s0;
	s0 =	sadd.s32 s7, s25  }
0x24: {  	s19 =	simm.s32 $0x5;
	s21 =	simm.s32 $0x6;
	[dreg:$0x1f] =	wrdreg s0  }
0x25: {  	s0 =	sadd.s32 s7, s28;
	s7 =	sadd.s32 s7, s31;
	_ =	strace $0x80000047  }
.LBB2_1:
0x26: {  	s23 =	rddreg [dreg:$0x4]  }
0x27: {  	[tilespmem:s1], [sflag:$0x7] =	stream.linear.gather [hbm4b:s23+s1], $0x4000, $0x38;
	[tilespmem:$0x1C000] =	vst v63  }
0x28: {  	_ = 	snop  }
0x29: {  	[tilespmem:s9], [sflag:$0x1] =	stream.linear.gather [hbm4b:s2+s1], $0x4000, $0x38;
	[tilespmem:$0x1C000] =	vst v63  }
0x2a: {  	s25 =	rddreg [dreg:$0x5];
	s24 =	simm.s32 $0x4000  }
0x2b: {  	[tilespmem:s24], [sflag:$0x8] =	stream.linear.gather [hbm4b:s25+s1], $0x4000, $0x38;
	[tilespmem:$0x1C000] =	vst v63  }
0x2c: {  	s26 =	rddreg [dreg:$0x6]  }
0x2d: {  	[tilespmem:s10], [sflag:$0x2] =	stream.linear.gather [hbm4b:s26+s1], $0x4000, $0x38;
	[tilespmem:$0x1C000] =	vst v63  }
0x2e: {  	s28 =	rddreg [dreg:$0x7];
	s29 =	simm.s32 $0x8000  }
0x2f: {  	[tilespmem:s29], [sflag:$0x9] =	stream.linear.gather [hbm4b:s28+s1], $0x4000, $0x38;
	[tilespmem:$0x1C000] =	vst v63  }
0x30: {  	s30 =	rddreg [dreg:$0x8];
	s31 =	simm.s32 $0xC000  }
0x31: {  	[tilespmem:s31], [sflag:$0xA] =	stream.linear.gather [hbm4b:s30+s1], $0x4000, $0x38;
	[tilespmem:$0x1C000] =	vst v63  }
0x32: {  	_ =	swait.ge [sflag:s11], $0x4000  }
0x33: {  	[sflag:s11] =	ssyncset.done $0x0  }
0x34: {  	[sflag:s11] =	ssyncadd.s32 $0xFFFFC000  }
0x35: {  	_ =	swait.ge [sflag:s12], $0x4000  }
0x36: {  	s23 =	simm.s32 $0x0;
	[sflag:s12] =	ssyncset.done $0x0  }
0x37: {  	s24 =	simm.s32 $0x0;
	s25 =	simm.s32 $0x0;
	[sflag:s12] =	ssyncadd.s32 $0xFFFFC000  }
.LBB2_2:
0x38: {  	s26 =	sand.u32 $0x7, s24  }
0x39: {  	s26 =	sshll.u32 s26, $0x9  }
0x3a: {  	s26 =	sshrl.u32 s26, $0x2  }
0x3b: {  	v0 =	vmov s26;
	_ =	sdelay $0x2  }
0x3c: {  	s28 =	sand.u32 $0x3FFFE000, s23  }
0x3d: {  	s30 =	sor.u32 $0x40, s28  }
0x3e: {  	v1 =	vld.idx.msk [tilespmem:v0+s30+$0x30 ss:$0x1], $0xffff  }
0x3f: {  	v2 =	vld.idx.msk [tilespmem:v0+s30+$0xFFFFFFD0 ss:$0x1], $0xffff  }
0x40: {  	v3 =	vld.idx.msk [tilespmem:v0+s30+$0xFFFFFFE0 ss:$0x1], $0xffff  }
0x41: {  	v4 =	vld.idx.msk [tilespmem:v0+s30+$0xFFFFFFF0 ss:$0x1], $0xffff  }
0x42: {  	v5 =	vld.idx.msk [tilespmem:v0+s30+$0x0 ss:$0x1], $0xffff  }
0x43: {  	s28 =	sadd.s32 $0x10000, s28;
	v6 =	vld.idx.msk [tilespmem:v0+s30+$0x10 ss:$0x1], $0xffff  }
0x44: {  	s31 =	sadd.s32 s26, s28;
	v7 =	vld.idx.msk [tilespmem:v0+s30+$0xFFFFFFC0 ss:$0x1], $0xffff  }
0x45: {  	[tilespmem:s31+$0x70] =	vst.add.f32.msk $0xffff, v1  }
0x46: {  	v1 =	vld.idx.msk [tilespmem:v0+s30+$0x20 ss:$0x1], $0xffff  }
0x47: {  	[tilespmem:s31+$0x10] =	vst.add.f32.msk $0xffff, v2  }
0x48: {  	[tilespmem:s31+$0x20] =	vst.add.f32.msk $0xffff, v3  }
0x49: {  	[tilespmem:s31+$0x30] =	vst.add.f32.msk $0xffff, v4  }
0x4a: {  	[tilespmem:s31+$0x40] =	vst.add.f32.msk $0xffff, v5  }
0x4b: {  	[tilespmem:s31+$0x50] =	vst.add.f32.msk $0xffff, v6  }
0x4c: {  	[tilespmem:s31+$0x0] =	vst.add.f32.msk $0xffff, v7  }
0x4d: {  	s29 =	simm.s32 $0x0;
	s30 =	sadd.s32 $0x400, s30;
	[tilespmem:s31+$0x60] =	vst.add.f32.msk $0xffff, v1  }
.LBB2_3:
0x4e: {  	v1 =	vld.idx.msk [tilespmem:v0+s30+$0x30 ss:$0x1], $0xffff;
	s29 =	sadd.s32 $0x80, s29  }
0x4f: {  	v2 =	vld.idx.msk [tilespmem:v0+s30+$0xFFFFFFD0 ss:$0x1], $0xffff;
	p0 =	slt.u32 s29, $0x380  }
0x50: {  	v3 =	vld.idx.msk [tilespmem:v0+s30+$0xFFFFFFE0 ss:$0x1], $0xffff  }
0x51: {  	v4 =	vld.idx.msk [tilespmem:v0+s30+$0xFFFFFFF0 ss:$0x1], $0xffff  }
0x52: {  	s28 =	sadd.s32 $0x400, s28;
	v5 =	vld.idx.msk [tilespmem:v0+s30+$0x0 ss:$0x1], $0xffff  }
0x53: {  	s31 =	sadd.s32 s26, s28;
	v6 =	vld.idx.msk [tilespmem:v0+s30+$0x10 ss:$0x1], $0xffff  }
0x54: {  	[tilespmem:s31+$0x70] =	vst.add.f32.msk $0xffff, v1  }
0x55: {  	v1 =	vld.idx.msk [tilespmem:v0+s30+$0x20 ss:$0x1], $0xffff  }
0x56: {  	v7 =	vld.idx.msk [tilespmem:v0+s30+$0xFFFFFFC0 ss:$0x1], $0xffff  }
0x57: {  	[tilespmem:s31+$0x10] =	vst.add.f32.msk $0xffff, v2  }
0x58: {  	[tilespmem:s31+$0x20] =	vst.add.f32.msk $0xffff, v3  }
.Ltmp0:
0x59: {  	[tilespmem:s31+$0x30] =	vst.add.f32.msk $0xffff, v4;
	(pc) =	sbr.rel @p0 .LBB2_3-.Ltmp0, $4  }
0x5a: {  	[tilespmem:s31+$0x40] =	vst.add.f32.msk $0xffff, v5  }
0x5b: {  	[tilespmem:s31+$0x50] =	vst.add.f32.msk $0xffff, v6  }
0x5c: {  	[tilespmem:s31+$0x0] =	vst.add.f32.msk $0xffff, v7  }
0x5d: {  	s30 =	sadd.s32 $0x400, s30;
	[tilespmem:s31+$0x60] =	vst.add.f32.msk $0xffff, v1  }
0x5e: {  	s25 =	sadd.s32 $0x1, s25  }
0x5f: {  	p0 =	sne.s32 s25, $0x10  }
.Ltmp1:
0x60: {  	_ = 	snop;
	(pc) =	sbr.rel @p0 .LBB2_2-.Ltmp1, $2  }
0x61: {  	_ =	sdelay $0x2  }
0x62: {  	s24 =	sadd.s32 $0x1, s24;
	s23 =	sadd.s32 $0x400, s23  }
0x63: {  	s23 =	simm.s32 $0x0  }
0x64: {  	[hbm4b:s3+s23] =	stream.linear.scatter [tilespmem:s9], [sflag:$0x4], $0x4000, $0x38;
	[tilespmem:$0x1C000] =	vst v63  }
0x65: {  	s24 =	rddreg [dreg:$0x9]  }
0x66: {  	[tilespmem:s13], [sflag:$0x3] =	stream.linear.gather [hbm4b:s24+s23], $0x4000, $0x38;
	[tilespmem:$0x1C000] =	vst v63  }
0x67: {  	_ =	swait.ge [sflag:s14], $0x4000  }
0x68: {  	[sflag:s14] =	ssyncset.done $0x0  }
0x69: {  	[sflag:s14] =	ssyncadd.s32 $0xFFFFC000  }
0x6a: {  	_ =	swait.ge [sflag:s15], $0x4000  }
0x6b: {  	[sflag:s15] =	ssyncset.done $0x0  }
0x6c: {  	s25 =	simm.s32 $0x0;
	s24 =	simm.s32 $0x0;
	[sflag:s15] =	ssyncadd.s32 $0xFFFFC000  }
.LBB2_6:
0x6d: {  	s26 =	sand.u32 $0x7, s24  }
0x6e: {  	s26 =	sshll.u32 s26, $0x9  }
0x6f: {  	s26 =	sshrl.u32 s26, $0x2  }
0x70: {  	v0 =	vmov s26;
	_ =	sdelay $0x2  }
0x71: {  	s28 =	sand.u32 $0x3FFFE000, s23  }
0x72: {  	s30 =	sadd.s32 $0x4040, s28  }
0x73: {  	v1 =	vld.idx.msk [tilespmem:v0+s30+$0x30 ss:$0x1], $0xffff  }
0x74: {  	v2 =	vld.idx.msk [tilespmem:v0+s30+$0xFFFFFFD0 ss:$0x1], $0xffff  }
0x75: {  	v3 =	vld.idx.msk [tilespmem:v0+s30+$0xFFFFFFE0 ss:$0x1], $0xffff  }
0x76: {  	v4 =	vld.idx.msk [tilespmem:v0+s30+$0xFFFFFFF0 ss:$0x1], $0xffff  }
0x77: {  	v5 =	vld.idx.msk [tilespmem:v0+s30+$0x0 ss:$0x1], $0xffff  }
0x78: {  	s28 =	sadd.s32 $0x14000, s28;
	v6 =	vld.idx.msk [tilespmem:v0+s30+$0x10 ss:$0x1], $0xffff  }
0x79: {  	s31 =	sadd.s32 s26, s28;
	v7 =	vld.idx.msk [tilespmem:v0+s30+$0xFFFFFFC0 ss:$0x1], $0xffff  }
0x7a: {  	[tilespmem:s31+$0x70] =	vst.add.f32.msk $0xffff, v1  }
0x7b: {  	v1 =	vld.idx.msk [tilespmem:v0+s30+$0x20 ss:$0x1], $0xffff  }
0x7c: {  	[tilespmem:s31+$0x10] =	vst.add.f32.msk $0xffff, v2  }
0x7d: {  	[tilespmem:s31+$0x20] =	vst.add.f32.msk $0xffff, v3  }
0x7e: {  	[tilespmem:s31+$0x30] =	vst.add.f32.msk $0xffff, v4  }
0x7f: {  	[tilespmem:s31+$0x40] =	vst.add.f32.msk $0xffff, v5  }
0x80: {  	[tilespmem:s31+$0x50] =	vst.add.f32.msk $0xffff, v6  }
0x81: {  	[tilespmem:s31+$0x0] =	vst.add.f32.msk $0xffff, v7  }
0x82: {  	s29 =	simm.s32 $0x0;
	s30 =	sadd.s32 $0x400, s30;
	[tilespmem:s31+$0x60] =	vst.add.f32.msk $0xffff, v1  }
.LBB2_7:
0x83: {  	v1 =	vld.idx.msk [tilespmem:v0+s30+$0x30 ss:$0x1], $0xffff;
	s29 =	sadd.s32 $0x80, s29  }
0x84: {  	v2 =	vld.idx.msk [tilespmem:v0+s30+$0xFFFFFFD0 ss:$0x1], $0xffff;
	p0 =	slt.u32 s29, $0x380  }
0x85: {  	v3 =	vld.idx.msk [tilespmem:v0+s30+$0xFFFFFFE0 ss:$0x1], $0xffff  }
0x86: {  	v4 =	vld.idx.msk [tilespmem:v0+s30+$0xFFFFFFF0 ss:$0x1], $0xffff  }
0x87: {  	s28 =	sadd.s32 $0x400, s28;
	v5 =	vld.idx.msk [tilespmem:v0+s30+$0x0 ss:$0x1], $0xffff  }
0x88: {  	s31 =	sadd.s32 s26, s28;
	v6 =	vld.idx.msk [tilespmem:v0+s30+$0x10 ss:$0x1], $0xffff  }
0x89: {  	[tilespmem:s31+$0x70] =	vst.add.f32.msk $0xffff, v1  }
0x8a: {  	v1 =	vld.idx.msk [tilespmem:v0+s30+$0x20 ss:$0x1], $0xffff  }
0x8b: {  	v7 =	vld.idx.msk [tilespmem:v0+s30+$0xFFFFFFC0 ss:$0x1], $0xffff  }
0x8c: {  	[tilespmem:s31+$0x10] =	vst.add.f32.msk $0xffff, v2  }
0x8d: {  	[tilespmem:s31+$0x20] =	vst.add.f32.msk $0xffff, v3  }
.Ltmp2:
0x8e: {  	[tilespmem:s31+$0x30] =	vst.add.f32.msk $0xffff, v4;
	(pc) =	sbr.rel @p0 .LBB2_7-.Ltmp2, $4  }
0x8f: {  	[tilespmem:s31+$0x40] =	vst.add.f32.msk $0xffff, v5  }
0x90: {  	[tilespmem:s31+$0x50] =	vst.add.f32.msk $0xffff, v6  }
0x91: {  	[tilespmem:s31+$0x0] =	vst.add.f32.msk $0xffff, v7  }
0x92: {  	s30 =	sadd.s32 $0x400, s30;
	[tilespmem:s31+$0x60] =	vst.add.f32.msk $0xffff, v1  }
0x93: {  	s25 =	sadd.s32 $0x1, s25  }
0x94: {  	p0 =	sne.s32 s25, $0x10  }
.Ltmp3:
0x95: {  	_ = 	snop;
	(pc) =	sbr.rel @p0 .LBB2_6-.Ltmp3, $2  }
0x96: {  	_ =	sdelay $0x2  }
0x97: {  	s24 =	sadd.s32 $0x1, s24;
	s23 =	sadd.s32 $0x400, s23  }
0x98: {  	s23 =	simm.s32 $0x0;
	s24 =	rddreg [dreg:$0xa]  }
0x99: {  	[hbm4b:s24+s23] =	stream.linear.scatter [tilespmem:s10], [sflag:$0x5], $0x4000, $0x38;
	[tilespmem:$0x1C000] =	vst v63  }
0x9a: {  	_ =	swait.ge [sflag:s16], $0x4000  }
0x9b: {  	[sflag:s16] =	ssyncset.done $0x0  }
0x9c: {  	s31 =	rddreg [dreg:$0xb];
	[sflag:s16] =	ssyncadd.s32 $0xFFFFC000  }
0x9d: {  	[tilespmem:s9], [sflag:$0x1] =	stream.linear.gather [hbm4b:s31+s23], $0x4000, $0x38;
	[tilespmem:$0x1C000] =	vst v63  }
0x9e: {  	_ =	swait.ge [sflag:s17], $0x4000  }
0x9f: {  	[sflag:s17] =	ssyncset.done $0x0  }
0xa0: {  	[sflag:s17] =	ssyncadd.s32 $0xFFFFC000  }
0xa1: {  	_ =	swait.ge [sflag:s18], $0x4000  }
0xa2: {  	[sflag:s18] =	ssyncset.done $0x0  }
0xa3: {  	s25 =	simm.s32 $0x0;
	s24 =	simm.s32 $0x0;
	[sflag:s18] =	ssyncadd.s32 $0xFFFFC000  }
.LBB2_10:
0xa4: {  	s26 =	sand.u32 $0x7, s24  }
0xa5: {  	s26 =	sshll.u32 s26, $0x9  }
0xa6: {  	s26 =	sshrl.u32 s26, $0x2  }
0xa7: {  	v0 =	vmov s26;
	_ =	sdelay $0x2  }
0xa8: {  	s28 =	sand.u32 $0x3FFFE000, s23  }
0xa9: {  	s30 =	sadd.s32 $0x8040, s28  }
0xaa: {  	v1 =	vld.idx.msk [tilespmem:v0+s30+$0x30 ss:$0x1], $0xffff  }
0xab: {  	v2 =	vld.idx.msk [tilespmem:v0+s30+$0xFFFFFFD0 ss:$0x1], $0xffff  }
0xac: {  	v3 =	vld.idx.msk [tilespmem:v0+s30+$0xFFFFFFE0 ss:$0x1], $0xffff  }
0xad: {  	v4 =	vld.idx.msk [tilespmem:v0+s30+$0xFFFFFFF0 ss:$0x1], $0xffff  }
0xae: {  	v5 =	vld.idx.msk [tilespmem:v0+s30+$0x0 ss:$0x1], $0xffff  }
0xaf: {  	s28 =	sadd.s32 $0x18000, s28;
	v6 =	vld.idx.msk [tilespmem:v0+s30+$0x10 ss:$0x1], $0xffff  }
0xb0: {  	s31 =	sadd.s32 s26, s28;
	v7 =	vld.idx.msk [tilespmem:v0+s30+$0xFFFFFFC0 ss:$0x1], $0xffff  }
0xb1: {  	[tilespmem:s31+$0x70] =	vst.add.f32.msk $0xffff, v1  }
0xb2: {  	v1 =	vld.idx.msk [tilespmem:v0+s30+$0x20 ss:$0x1], $0xffff  }
0xb3: {  	[tilespmem:s31+$0x10] =	vst.add.f32.msk $0xffff, v2  }
0xb4: {  	[tilespmem:s31+$0x20] =	vst.add.f32.msk $0xffff, v3  }
0xb5: {  	[tilespmem:s31+$0x30] =	vst.add.f32.msk $0xffff, v4  }
0xb6: {  	[tilespmem:s31+$0x40] =	vst.add.f32.msk $0xffff, v5  }
0xb7: {  	[tilespmem:s31+$0x50] =	vst.add.f32.msk $0xffff, v6  }
0xb8: {  	[tilespmem:s31+$0x0] =	vst.add.f32.msk $0xffff, v7  }
0xb9: {  	s29 =	simm.s32 $0x0;
	s30 =	sadd.s32 $0x400, s30;
	[tilespmem:s31+$0x60] =	vst.add.f32.msk $0xffff, v1  }
.LBB2_11:
0xba: {  	v1 =	vld.idx.msk [tilespmem:v0+s30+$0x30 ss:$0x1], $0xffff;
	s29 =	sadd.s32 $0x80, s29  }
0xbb: {  	v2 =	vld.idx.msk [tilespmem:v0+s30+$0xFFFFFFD0 ss:$0x1], $0xffff;
	p0 =	slt.u32 s29, $0x380  }
0xbc: {  	v3 =	vld.idx.msk [tilespmem:v0+s30+$0xFFFFFFE0 ss:$0x1], $0xffff  }
0xbd: {  	v4 =	vld.idx.msk [tilespmem:v0+s30+$0xFFFFFFF0 ss:$0x1], $0xffff  }
0xbe: {  	s28 =	sadd.s32 $0x400, s28;
	v5 =	vld.idx.msk [tilespmem:v0+s30+$0x0 ss:$0x1], $0xffff  }
0xbf: {  	s31 =	sadd.s32 s26, s28;
	v6 =	vld.idx.msk [tilespmem:v0+s30+$0x10 ss:$0x1], $0xffff  }
0xc0: {  	[tilespmem:s31+$0x70] =	vst.add.f32.msk $0xffff, v1  }
0xc1: {  	v1 =	vld.idx.msk [tilespmem:v0+s30+$0x20 ss:$0x1], $0xffff  }
0xc2: {  	v7 =	vld.idx.msk [tilespmem:v0+s30+$0xFFFFFFC0 ss:$0x1], $0xffff  }
0xc3: {  	[tilespmem:s31+$0x10] =	vst.add.f32.msk $0xffff, v2  }
0xc4: {  	[tilespmem:s31+$0x20] =	vst.add.f32.msk $0xffff, v3  }
.Ltmp4:
0xc5: {  	[tilespmem:s31+$0x30] =	vst.add.f32.msk $0xffff, v4;
	(pc) =	sbr.rel @p0 .LBB2_11-.Ltmp4, $4  }
0xc6: {  	[tilespmem:s31+$0x40] =	vst.add.f32.msk $0xffff, v5  }
0xc7: {  	[tilespmem:s31+$0x50] =	vst.add.f32.msk $0xffff, v6  }
0xc8: {  	[tilespmem:s31+$0x0] =	vst.add.f32.msk $0xffff, v7  }
0xc9: {  	s30 =	sadd.s32 $0x400, s30;
	[tilespmem:s31+$0x60] =	vst.add.f32.msk $0xffff, v1  }
0xca: {  	s25 =	sadd.s32 $0x1, s25  }
0xcb: {  	p0 =	sne.s32 s25, $0x10  }
.Ltmp5:
0xcc: {  	_ = 	snop;
	(pc) =	sbr.rel @p0 .LBB2_10-.Ltmp5, $2  }
0xcd: {  	_ =	sdelay $0x2  }
0xce: {  	s24 =	sadd.s32 $0x1, s24;
	s23 =	sadd.s32 $0x400, s23  }
0xcf: {  	s23 =	simm.s32 $0x0;
	s24 =	rddreg [dreg:$0xc]  }
0xd0: {  	[hbm4b:s24+s23] =	stream.linear.scatter [tilespmem:s13], [sflag:$0x6], $0x4000, $0x38;
	[tilespmem:$0x1C000] =	vst v63  }
0xd1: {  	_ =	swait.ge [sflag:s19], $0x4000  }
0xd2: {  	[sflag:s19] =	ssyncset.done $0x0  }
0xd3: {  	s31 =	rddreg [dreg:$0xd];
	[sflag:s19] =	ssyncadd.s32 $0xFFFFC000  }
0xd4: {  	[tilespmem:s10], [sflag:$0x2] =	stream.linear.gather [hbm4b:s31+s23], $0x4000, $0x38;
	[tilespmem:$0x1C000] =	vst v63  }
0xd5: {  	_ =	swait.ge [sflag:s20], $0x4000  }
0xd6: {  	[sflag:s20] =	ssyncset.done $0x0  }
0xd7: {  	[sflag:s20] =	ssyncadd.s32 $0xFFFFC000  }
0xd8: {  	_ =	swait.ge [sflag:s12], $0x4000  }
0xd9: {  	[sflag:s12] =	ssyncset.done $0x0  }
0xda: {  	s25 =	simm.s32 $0x0;
	s24 =	simm.s32 $0x0;
	[sflag:s12] =	ssyncadd.s32 $0xFFFFC000  }
.LBB2_14:
0xdb: {  	s26 =	sand.u32 $0x7, s24  }
0xdc: {  	s26 =	sshll.u32 s26, $0x9  }
0xdd: {  	s26 =	sshrl.u32 s26, $0x2  }
0xde: {  	v0 =	vmov s26;
	_ =	sdelay $0x2  }
0xdf: {  	s28 =	sand.u32 $0x3FFFE000, s23  }
0xe0: {  	s30 =	sadd.s32 $0xC040, s28  }
0xe1: {  	v1 =	vld.idx.msk [tilespmem:v0+s30+$0x30 ss:$0x1], $0xffff  }
0xe2: {  	v2 =	vld.idx.msk [tilespmem:v0+s30+$0xFFFFFFD0 ss:$0x1], $0xffff  }
0xe3: {  	v3 =	vld.idx.msk [tilespmem:v0+s30+$0xFFFFFFE0 ss:$0x1], $0xffff  }
0xe4: {  	v4 =	vld.idx.msk [tilespmem:v0+s30+$0xFFFFFFF0 ss:$0x1], $0xffff  }
0xe5: {  	v5 =	vld.idx.msk [tilespmem:v0+s30+$0x0 ss:$0x1], $0xffff  }
0xe6: {  	s28 =	sadd.s32 $0x10000, s28;
	v6 =	vld.idx.msk [tilespmem:v0+s30+$0x10 ss:$0x1], $0xffff  }
0xe7: {  	s31 =	sadd.s32 s26, s28;
	v7 =	vld.idx.msk [tilespmem:v0+s30+$0xFFFFFFC0 ss:$0x1], $0xffff  }
0xe8: {  	[tilespmem:s31+$0x70] =	vst.add.f32.msk $0xffff, v1  }
0xe9: {  	v1 =	vld.idx.msk [tilespmem:v0+s30+$0x20 ss:$0x1], $0xffff  }
0xea: {  	[tilespmem:s31+$0x10] =	vst.add.f32.msk $0xffff, v2  }
0xeb: {  	[tilespmem:s31+$0x20] =	vst.add.f32.msk $0xffff, v3  }
0xec: {  	[tilespmem:s31+$0x30] =	vst.add.f32.msk $0xffff, v4  }
0xed: {  	[tilespmem:s31+$0x40] =	vst.add.f32.msk $0xffff, v5  }
0xee: {  	[tilespmem:s31+$0x50] =	vst.add.f32.msk $0xffff, v6  }
0xef: {  	[tilespmem:s31+$0x0] =	vst.add.f32.msk $0xffff, v7  }
0xf0: {  	s29 =	simm.s32 $0x0;
	s30 =	sadd.s32 $0x400, s30;
	[tilespmem:s31+$0x60] =	vst.add.f32.msk $0xffff, v1  }
.LBB2_15:
0xf1: {  	v1 =	vld.idx.msk [tilespmem:v0+s30+$0x30 ss:$0x1], $0xffff;
	s29 =	sadd.s32 $0x80, s29  }
0xf2: {  	v2 =	vld.idx.msk [tilespmem:v0+s30+$0xFFFFFFD0 ss:$0x1], $0xffff;
	p0 =	slt.u32 s29, $0x380  }
0xf3: {  	v3 =	vld.idx.msk [tilespmem:v0+s30+$0xFFFFFFE0 ss:$0x1], $0xffff  }
0xf4: {  	v4 =	vld.idx.msk [tilespmem:v0+s30+$0xFFFFFFF0 ss:$0x1], $0xffff  }
0xf5: {  	s28 =	sadd.s32 $0x400, s28;
	v5 =	vld.idx.msk [tilespmem:v0+s30+$0x0 ss:$0x1], $0xffff  }
0xf6: {  	s31 =	sadd.s32 s26, s28;
	v6 =	vld.idx.msk [tilespmem:v0+s30+$0x10 ss:$0x1], $0xffff  }
0xf7: {  	[tilespmem:s31+$0x70] =	vst.add.f32.msk $0xffff, v1  }
0xf8: {  	v1 =	vld.idx.msk [tilespmem:v0+s30+$0x20 ss:$0x1], $0xffff  }
0xf9: {  	v7 =	vld.idx.msk [tilespmem:v0+s30+$0xFFFFFFC0 ss:$0x1], $0xffff  }
0xfa: {  	[tilespmem:s31+$0x10] =	vst.add.f32.msk $0xffff, v2  }
0xfb: {  	[tilespmem:s31+$0x20] =	vst.add.f32.msk $0xffff, v3  }
.Ltmp6:
0xfc: {  	[tilespmem:s31+$0x30] =	vst.add.f32.msk $0xffff, v4;
	(pc) =	sbr.rel @p0 .LBB2_15-.Ltmp6, $4  }
0xfd: {  	[tilespmem:s31+$0x40] =	vst.add.f32.msk $0xffff, v5  }
0xfe: {  	[tilespmem:s31+$0x50] =	vst.add.f32.msk $0xffff, v6  }
0xff: {  	[tilespmem:s31+$0x0] =	vst.add.f32.msk $0xffff, v7  }
0x100: {  	s30 =	sadd.s32 $0x400, s30;
	[tilespmem:s31+$0x60] =	vst.add.f32.msk $0xffff, v1  }
0x101: {  	s25 =	sadd.s32 $0x1, s25  }
0x102: {  	p0 =	sne.s32 s25, $0x10  }
.Ltmp7:
0x103: {  	_ = 	snop;
	(pc) =	sbr.rel @p0 .LBB2_14-.Ltmp7, $2  }
0x104: {  	_ =	sdelay $0x2  }
0x105: {  	s24 =	sadd.s32 $0x1, s24;
	s23 =	sadd.s32 $0x400, s23  }
0x106: {  	s23 =	simm.s32 $0x0;
	s24 =	rddreg [dreg:$0xe]  }
0x107: {  	[hbm4b:s24+s23] =	stream.linear.scatter [tilespmem:s9], [sflag:$0x4], $0x4000, $0x38;
	[tilespmem:$0x1C000] =	vst v63  }
0x108: {  	_ =	swait.ge [sflag:s21], $0x4000  }
0x109: {  	[sflag:s21] =	ssyncset.done $0x0  }
0x10a: {  	s31 =	rddreg [dreg:$0xf];
	[sflag:s21] =	ssyncadd.s32 $0xFFFFC000  }
0x10b: {  	[tilespmem:s13], [sflag:$0x3] =	stream.linear.gather [hbm4b:s31+s23], $0x4000, $0x38;
	[tilespmem:$0x1C000] =	vst v63  }
0x10c: {  	_ =	swait.ge [sflag:s15], $0x4000  }
0x10d: {  	[sflag:s15] =	ssyncset.done $0x0  }
0x10e: {  	s25 =	simm.s32 $0x0;
	s24 =	simm.s32 $0x0;
	[sflag:s15] =	ssyncadd.s32 $0xFFFFC000  }
.LBB2_18:
0x10f: {  	s26 =	sand.u32 $0x7, s24  }
0x110: {  	s26 =	sshll.u32 s26, $0x9  }
0x111: {  	s26 =	sshrl.u32 s26, $0x2  }
0x112: {  	v0 =	vmov s26;
	_ =	sdelay $0x2  }
0x113: {  	s28 =	sand.u32 $0x3FFFE000, s23  }
0x114: {  	s30 =	sor.u32 $0x40, s28  }
0x115: {  	v1 =	vld.idx.msk [tilespmem:v0+s30+$0x30 ss:$0x1], $0xffff  }
0x116: {  	v2 =	vld.idx.msk [tilespmem:v0+s30+$0xFFFFFFD0 ss:$0x1], $0xffff  }
0x117: {  	v3 =	vld.idx.msk [tilespmem:v0+s30+$0xFFFFFFE0 ss:$0x1], $0xffff  }
0x118: {  	v4 =	vld.idx.msk [tilespmem:v0+s30+$0xFFFFFFF0 ss:$0x1], $0xffff  }
0x119: {  	v5 =	vld.idx.msk [tilespmem:v0+s30+$0x0 ss:$0x1], $0xffff  }
0x11a: {  	s28 =	sadd.s32 $0x14000, s28;
	v6 =	vld.idx.msk [tilespmem:v0+s30+$0x10 ss:$0x1], $0xffff  }
0x11b: {  	s31 =	sadd.s32 s26, s28;
	v7 =	vld.idx.msk [tilespmem:v0+s30+$0xFFFFFFC0 ss:$0x1], $0xffff  }
0x11c: {  	[tilespmem:s31+$0x70] =	vst.add.f32.msk $0xffff, v1  }
0x11d: {  	v1 =	vld.idx.msk [tilespmem:v0+s30+$0x20 ss:$0x1], $0xffff  }
0x11e: {  	[tilespmem:s31+$0x10] =	vst.add.f32.msk $0xffff, v2  }
0x11f: {  	[tilespmem:s31+$0x20] =	vst.add.f32.msk $0xffff, v3  }
0x120: {  	[tilespmem:s31+$0x30] =	vst.add.f32.msk $0xffff, v4  }
0x121: {  	[tilespmem:s31+$0x40] =	vst.add.f32.msk $0xffff, v5  }
0x122: {  	[tilespmem:s31+$0x50] =	vst.add.f32.msk $0xffff, v6  }
0x123: {  	[tilespmem:s31+$0x0] =	vst.add.f32.msk $0xffff, v7  }
0x124: {  	s29 =	simm.s32 $0x0;
	s30 =	sadd.s32 $0x400, s30;
	[tilespmem:s31+$0x60] =	vst.add.f32.msk $0xffff, v1  }
.LBB2_19:
0x125: {  	v1 =	vld.idx.msk [tilespmem:v0+s30+$0x30 ss:$0x1], $0xffff;
	s29 =	sadd.s32 $0x80, s29  }
0x126: {  	v2 =	vld.idx.msk [tilespmem:v0+s30+$0xFFFFFFD0 ss:$0x1], $0xffff;
	p0 =	slt.u32 s29, $0x380  }
0x127: {  	v3 =	vld.idx.msk [tilespmem:v0+s30+$0xFFFFFFE0 ss:$0x1], $0xffff  }
0x128: {  	v4 =	vld.idx.msk [tilespmem:v0+s30+$0xFFFFFFF0 ss:$0x1], $0xffff  }
0x129: {  	s28 =	sadd.s32 $0x400, s28;
	v5 =	vld.idx.msk [tilespmem:v0+s30+$0x0 ss:$0x1], $0xffff  }
0x12a: {  	s31 =	sadd.s32 s26, s28;
	v6 =	vld.idx.msk [tilespmem:v0+s30+$0x10 ss:$0x1], $0xffff  }
0x12b: {  	[tilespmem:s31+$0x70] =	vst.add.f32.msk $0xffff, v1  }
0x12c: {  	v1 =	vld.idx.msk [tilespmem:v0+s30+$0x20 ss:$0x1], $0xffff  }
0x12d: {  	v7 =	vld.idx.msk [tilespmem:v0+s30+$0xFFFFFFC0 ss:$0x1], $0xffff  }
0x12e: {  	[tilespmem:s31+$0x10] =	vst.add.f32.msk $0xffff, v2  }
0x12f: {  	[tilespmem:s31+$0x20] =	vst.add.f32.msk $0xffff, v3  }
.Ltmp8:
0x130: {  	[tilespmem:s31+$0x30] =	vst.add.f32.msk $0xffff, v4;
	(pc) =	sbr.rel @p0 .LBB2_19-.Ltmp8, $4  }
0x131: {  	[tilespmem:s31+$0x40] =	vst.add.f32.msk $0xffff, v5  }
0x132: {  	[tilespmem:s31+$0x50] =	vst.add.f32.msk $0xffff, v6  }
0x133: {  	[tilespmem:s31+$0x0] =	vst.add.f32.msk $0xffff, v7  }
0x134: {  	s30 =	sadd.s32 $0x400, s30;
	[tilespmem:s31+$0x60] =	vst.add.f32.msk $0xffff, v1  }
0x135: {  	s25 =	sadd.s32 $0x1, s25  }
0x136: {  	p0 =	sne.s32 s25, $0x10  }
.Ltmp9:
0x137: {  	_ = 	snop;
	(pc) =	sbr.rel @p0 .LBB2_18-.Ltmp9, $2  }
0x138: {  	_ =	sdelay $0x2  }
0x139: {  	s24 =	sadd.s32 $0x1, s24;
	s23 =	sadd.s32 $0x400, s23  }
0x13a: {  	s23 =	simm.s32 $0x0;
	s24 =	rddreg [dreg:$0x10]  }
0x13b: {  	[hbm4b:s24+s23] =	stream.linear.scatter [tilespmem:s10], [sflag:$0x5], $0x4000, $0x38;
	[tilespmem:$0x1C000] =	vst v63  }
0x13c: {  	_ =	swait.ge [sflag:s16], $0x4000  }
0x13d: {  	[sflag:s16] =	ssyncset.done $0x0  }
0x13e: {  	s31 =	rddreg [dreg:$0x11];
	[sflag:s16] =	ssyncadd.s32 $0xFFFFC000  }
0x13f: {  	[tilespmem:s9], [sflag:$0x1] =	stream.linear.gather [hbm4b:s31+s23], $0x4000, $0x38;
	[tilespmem:$0x1C000] =	vst v63  }
0x140: {  	_ =	swait.ge [sflag:s18], $0x4000  }
0x141: {  	[sflag:s18] =	ssyncset.done $0x0  }
0x142: {  	s25 =	simm.s32 $0x0;
	s24 =	simm.s32 $0x0;
	[sflag:s18] =	ssyncadd.s32 $0xFFFFC000  }
.LBB2_22:
0x143: {  	s26 =	sand.u32 $0x7, s24  }
0x144: {  	s26 =	sshll.u32 s26, $0x9  }
0x145: {  	s26 =	sshrl.u32 s26, $0x2  }
0x146: {  	v0 =	vmov s26;
	_ =	sdelay $0x2  }
0x147: {  	s28 =	sand.u32 $0x3FFFE000, s23  }
0x148: {  	s30 =	sadd.s32 $0x4040, s28  }
0x149: {  	v1 =	vld.idx.msk [tilespmem:v0+s30+$0x30 ss:$0x1], $0xffff  }
0x14a: {  	v2 =	vld.idx.msk [tilespmem:v0+s30+$0xFFFFFFD0 ss:$0x1], $0xffff  }
0x14b: {  	v3 =	vld.idx.msk [tilespmem:v0+s30+$0xFFFFFFE0 ss:$0x1], $0xffff  }
0x14c: {  	v4 =	vld.idx.msk [tilespmem:v0+s30+$0xFFFFFFF0 ss:$0x1], $0xffff  }
0x14d: {  	v5 =	vld.idx.msk [tilespmem:v0+s30+$0x0 ss:$0x1], $0xffff  }
0x14e: {  	s28 =	sadd.s32 $0x18000, s28;
	v6 =	vld.idx.msk [tilespmem:v0+s30+$0x10 ss:$0x1], $0xffff  }
0x14f: {  	s31 =	sadd.s32 s26, s28;
	v7 =	vld.idx.msk [tilespmem:v0+s30+$0xFFFFFFC0 ss:$0x1], $0xffff  }
0x150: {  	[tilespmem:s31+$0x70] =	vst.add.f32.msk $0xffff, v1  }
0x151: {  	v1 =	vld.idx.msk [tilespmem:v0+s30+$0x20 ss:$0x1], $0xffff  }
0x152: {  	[tilespmem:s31+$0x10] =	vst.add.f32.msk $0xffff, v2  }
0x153: {  	[tilespmem:s31+$0x20] =	vst.add.f32.msk $0xffff, v3  }
0x154: {  	[tilespmem:s31+$0x30] =	vst.add.f32.msk $0xffff, v4  }
0x155: {  	[tilespmem:s31+$0x40] =	vst.add.f32.msk $0xffff, v5  }
0x156: {  	[tilespmem:s31+$0x50] =	vst.add.f32.msk $0xffff, v6  }
0x157: {  	[tilespmem:s31+$0x0] =	vst.add.f32.msk $0xffff, v7  }
0x158: {  	s29 =	simm.s32 $0x0;
	s30 =	sadd.s32 $0x400, s30;
	[tilespmem:s31+$0x60] =	vst.add.f32.msk $0xffff, v1  }
.LBB2_23:
0x159: {  	v1 =	vld.idx.msk [tilespmem:v0+s30+$0x30 ss:$0x1], $0xffff;
	s29 =	sadd.s32 $0x80, s29  }
0x15a: {  	v2 =	vld.idx.msk [tilespmem:v0+s30+$0xFFFFFFD0 ss:$0x1], $0xffff;
	p0 =	slt.u32 s29, $0x380  }
0x15b: {  	v3 =	vld.idx.msk [tilespmem:v0+s30+$0xFFFFFFE0 ss:$0x1], $0xffff  }
0x15c: {  	v4 =	vld.idx.msk [tilespmem:v0+s30+$0xFFFFFFF0 ss:$0x1], $0xffff  }
0x15d: {  	s28 =	sadd.s32 $0x400, s28;
	v5 =	vld.idx.msk [tilespmem:v0+s30+$0x0 ss:$0x1], $0xffff  }
0x15e: {  	s31 =	sadd.s32 s26, s28;
	v6 =	vld.idx.msk [tilespmem:v0+s30+$0x10 ss:$0x1], $0xffff  }
0x15f: {  	[tilespmem:s31+$0x70] =	vst.add.f32.msk $0xffff, v1  }
0x160: {  	v1 =	vld.idx.msk [tilespmem:v0+s30+$0x20 ss:$0x1], $0xffff  }
0x161: {  	v7 =	vld.idx.msk [tilespmem:v0+s30+$0xFFFFFFC0 ss:$0x1], $0xffff  }
0x162: {  	[tilespmem:s31+$0x10] =	vst.add.f32.msk $0xffff, v2  }
0x163: {  	[tilespmem:s31+$0x20] =	vst.add.f32.msk $0xffff, v3  }
.Ltmp10:
0x164: {  	[tilespmem:s31+$0x30] =	vst.add.f32.msk $0xffff, v4;
	(pc) =	sbr.rel @p0 .LBB2_23-.Ltmp10, $4  }
0x165: {  	[tilespmem:s31+$0x40] =	vst.add.f32.msk $0xffff, v5  }
0x166: {  	[tilespmem:s31+$0x50] =	vst.add.f32.msk $0xffff, v6  }
0x167: {  	[tilespmem:s31+$0x0] =	vst.add.f32.msk $0xffff, v7  }
0x168: {  	s30 =	sadd.s32 $0x400, s30;
	[tilespmem:s31+$0x60] =	vst.add.f32.msk $0xffff, v1  }
0x169: {  	s25 =	sadd.s32 $0x1, s25  }
0x16a: {  	p0 =	sne.s32 s25, $0x10  }
.Ltmp11:
0x16b: {  	_ = 	snop;
	(pc) =	sbr.rel @p0 .LBB2_22-.Ltmp11, $2  }
0x16c: {  	_ =	sdelay $0x2  }
0x16d: {  	s24 =	sadd.s32 $0x1, s24;
	s23 =	sadd.s32 $0x400, s23  }
0x16e: {  	s23 =	simm.s32 $0x0;
	s24 =	rddreg [dreg:$0x12]  }
0x16f: {  	[hbm4b:s24+s23] =	stream.linear.scatter [tilespmem:s13], [sflag:$0x6], $0x4000, $0x38;
	[tilespmem:$0x1C000] =	vst v63  }
0x170: {  	_ =	swait.ge [sflag:s19], $0x4000  }
0x171: {  	[sflag:s19] =	ssyncset.done $0x0  }
0x172: {  	s31 =	rddreg [dreg:$0x13];
	[sflag:s19] =	ssyncadd.s32 $0xFFFFC000  }
0x173: {  	[tilespmem:s10], [sflag:$0x2] =	stream.linear.gather [hbm4b:s31+s23], $0x4000, $0x38;
	[tilespmem:$0x1C000] =	vst v63  }
0x174: {  	_ =	swait.ge [sflag:s12], $0x4000  }
0x175: {  	[sflag:s12] =	ssyncset.done $0x0  }
0x176: {  	s25 =	simm.s32 $0x0;
	s24 =	simm.s32 $0x0;
	[sflag:s12] =	ssyncadd.s32 $0xFFFFC000  }
.LBB2_26:
0x177: {  	s26 =	sand.u32 $0x7, s24  }
0x178: {  	s26 =	sshll.u32 s26, $0x9  }
0x179: {  	s26 =	sshrl.u32 s26, $0x2  }
0x17a: {  	v0 =	vmov s26;
	_ =	sdelay $0x2  }
0x17b: {  	s28 =	sand.u32 $0x3FFFE000, s23  }
0x17c: {  	s30 =	sadd.s32 $0x8040, s28  }
0x17d: {  	v1 =	vld.idx.msk [tilespmem:v0+s30+$0x30 ss:$0x1], $0xffff  }
0x17e: {  	v2 =	vld.idx.msk [tilespmem:v0+s30+$0xFFFFFFD0 ss:$0x1], $0xffff  }
0x17f: {  	v3 =	vld.idx.msk [tilespmem:v0+s30+$0xFFFFFFE0 ss:$0x1], $0xffff  }
0x180: {  	v4 =	vld.idx.msk [tilespmem:v0+s30+$0xFFFFFFF0 ss:$0x1], $0xffff  }
0x181: {  	v5 =	vld.idx.msk [tilespmem:v0+s30+$0x0 ss:$0x1], $0xffff  }
0x182: {  	s28 =	sadd.s32 $0x10000, s28;
	v6 =	vld.idx.msk [tilespmem:v0+s30+$0x10 ss:$0x1], $0xffff  }
0x183: {  	s31 =	sadd.s32 s26, s28;
	v7 =	vld.idx.msk [tilespmem:v0+s30+$0xFFFFFFC0 ss:$0x1], $0xffff  }
0x184: {  	[tilespmem:s31+$0x70] =	vst.add.f32.msk $0xffff, v1  }
0x185: {  	v1 =	vld.idx.msk [tilespmem:v0+s30+$0x20 ss:$0x1], $0xffff  }
0x186: {  	[tilespmem:s31+$0x10] =	vst.add.f32.msk $0xffff, v2  }
0x187: {  	[tilespmem:s31+$0x20] =	vst.add.f32.msk $0xffff, v3  }
0x188: {  	[tilespmem:s31+$0x30] =	vst.add.f32.msk $0xffff, v4  }
0x189: {  	[tilespmem:s31+$0x40] =	vst.add.f32.msk $0xffff, v5  }
0x18a: {  	[tilespmem:s31+$0x50] =	vst.add.f32.msk $0xffff, v6  }
0x18b: {  	[tilespmem:s31+$0x0] =	vst.add.f32.msk $0xffff, v7  }
0x18c: {  	s29 =	simm.s32 $0x0;
	s30 =	sadd.s32 $0x400, s30;
	[tilespmem:s31+$0x60] =	vst.add.f32.msk $0xffff, v1  }
.LBB2_27:
0x18d: {  	v1 =	vld.idx.msk [tilespmem:v0+s30+$0x30 ss:$0x1], $0xffff;
	s29 =	sadd.s32 $0x80, s29  }
0x18e: {  	v2 =	vld.idx.msk [tilespmem:v0+s30+$0xFFFFFFD0 ss:$0x1], $0xffff;
	p0 =	slt.u32 s29, $0x380  }
0x18f: {  	v3 =	vld.idx.msk [tilespmem:v0+s30+$0xFFFFFFE0 ss:$0x1], $0xffff  }
0x190: {  	v4 =	vld.idx.msk [tilespmem:v0+s30+$0xFFFFFFF0 ss:$0x1], $0xffff  }
0x191: {  	s28 =	sadd.s32 $0x400, s28;
	v5 =	vld.idx.msk [tilespmem:v0+s30+$0x0 ss:$0x1], $0xffff  }
0x192: {  	s31 =	sadd.s32 s26, s28;
	v6 =	vld.idx.msk [tilespmem:v0+s30+$0x10 ss:$0x1], $0xffff  }
0x193: {  	[tilespmem:s31+$0x70] =	vst.add.f32.msk $0xffff, v1  }
0x194: {  	v1 =	vld.idx.msk [tilespmem:v0+s30+$0x20 ss:$0x1], $0xffff  }
0x195: {  	v7 =	vld.idx.msk [tilespmem:v0+s30+$0xFFFFFFC0 ss:$0x1], $0xffff  }
0x196: {  	[tilespmem:s31+$0x10] =	vst.add.f32.msk $0xffff, v2  }
0x197: {  	[tilespmem:s31+$0x20] =	vst.add.f32.msk $0xffff, v3  }
.Ltmp12:
0x198: {  	[tilespmem:s31+$0x30] =	vst.add.f32.msk $0xffff, v4;
	(pc) =	sbr.rel @p0 .LBB2_27-.Ltmp12, $4  }
0x199: {  	[tilespmem:s31+$0x40] =	vst.add.f32.msk $0xffff, v5  }
0x19a: {  	[tilespmem:s31+$0x50] =	vst.add.f32.msk $0xffff, v6  }
0x19b: {  	[tilespmem:s31+$0x0] =	vst.add.f32.msk $0xffff, v7  }
0x19c: {  	s30 =	sadd.s32 $0x400, s30;
	[tilespmem:s31+$0x60] =	vst.add.f32.msk $0xffff, v1  }
0x19d: {  	s25 =	sadd.s32 $0x1, s25  }
0x19e: {  	p0 =	sne.s32 s25, $0x10  }
.Ltmp13:
0x19f: {  	_ = 	snop;
	(pc) =	sbr.rel @p0 .LBB2_26-.Ltmp13, $2  }
0x1a0: {  	_ =	sdelay $0x2  }
0x1a1: {  	s24 =	sadd.s32 $0x1, s24;
	s23 =	sadd.s32 $0x400, s23  }
0x1a2: {  	s23 =	simm.s32 $0x0;
	s24 =	rddreg [dreg:$0x14]  }
0x1a3: {  	[hbm4b:s24+s23] =	stream.linear.scatter [tilespmem:s9], [sflag:$0x4], $0x4000, $0x38;
	[tilespmem:$0x1C000] =	vst v63  }
0x1a4: {  	_ =	swait.ge [sflag:s21], $0x4000  }
0x1a5: {  	[sflag:s21] =	ssyncset.done $0x0  }
0x1a6: {  	s31 =	rddreg [dreg:$0x15];
	[sflag:s21] =	ssyncadd.s32 $0xFFFFC000  }
0x1a7: {  	[tilespmem:s13], [sflag:$0x3] =	stream.linear.gather [hbm4b:s31+s23], $0x4000, $0x38;
	[tilespmem:$0x1C000] =	vst v63  }
0x1a8: {  	_ =	swait.ge [sflag:s15], $0x4000  }
0x1a9: {  	[sflag:s15] =	ssyncset.done $0x0  }
0x1aa: {  	s25 =	simm.s32 $0x0;
	s24 =	simm.s32 $0x0;
	[sflag:s15] =	ssyncadd.s32 $0xFFFFC000  }
.LBB2_30:
0x1ab: {  	s26 =	sand.u32 $0x7, s24  }
0x1ac: {  	s26 =	sshll.u32 s26, $0x9  }
0x1ad: {  	s26 =	sshrl.u32 s26, $0x2  }
0x1ae: {  	v0 =	vmov s26;
	_ =	sdelay $0x2  }
0x1af: {  	s28 =	sand.u32 $0x3FFFE000, s23  }
0x1b0: {  	s30 =	sadd.s32 $0xC040, s28  }
0x1b1: {  	v1 =	vld.idx.msk [tilespmem:v0+s30+$0x30 ss:$0x1], $0xffff  }
0x1b2: {  	v2 =	vld.idx.msk [tilespmem:v0+s30+$0xFFFFFFD0 ss:$0x1], $0xffff  }
0x1b3: {  	v3 =	vld.idx.msk [tilespmem:v0+s30+$0xFFFFFFE0 ss:$0x1], $0xffff  }
0x1b4: {  	v4 =	vld.idx.msk [tilespmem:v0+s30+$0xFFFFFFF0 ss:$0x1], $0xffff  }
0x1b5: {  	v5 =	vld.idx.msk [tilespmem:v0+s30+$0x0 ss:$0x1], $0xffff  }
0x1b6: {  	s28 =	sadd.s32 $0x14000, s28;
	v6 =	vld.idx.msk [tilespmem:v0+s30+$0x10 ss:$0x1], $0xffff  }
0x1b7: {  	s31 =	sadd.s32 s26, s28;
	v7 =	vld.idx.msk [tilespmem:v0+s30+$0xFFFFFFC0 ss:$0x1], $0xffff  }
0x1b8: {  	[tilespmem:s31+$0x70] =	vst.add.f32.msk $0xffff, v1  }
0x1b9: {  	v1 =	vld.idx.msk [tilespmem:v0+s30+$0x20 ss:$0x1], $0xffff  }
0x1ba: {  	[tilespmem:s31+$0x10] =	vst.add.f32.msk $0xffff, v2  }
0x1bb: {  	[tilespmem:s31+$0x20] =	vst.add.f32.msk $0xffff, v3  }
0x1bc: {  	[tilespmem:s31+$0x30] =	vst.add.f32.msk $0xffff, v4  }
0x1bd: {  	[tilespmem:s31+$0x40] =	vst.add.f32.msk $0xffff, v5  }
0x1be: {  	[tilespmem:s31+$0x50] =	vst.add.f32.msk $0xffff, v6  }
0x1bf: {  	[tilespmem:s31+$0x0] =	vst.add.f32.msk $0xffff, v7  }
0x1c0: {  	s29 =	simm.s32 $0x0;
	s30 =	sadd.s32 $0x400, s30;
	[tilespmem:s31+$0x60] =	vst.add.f32.msk $0xffff, v1  }
.LBB2_31:
0x1c1: {  	v1 =	vld.idx.msk [tilespmem:v0+s30+$0x30 ss:$0x1], $0xffff;
	s29 =	sadd.s32 $0x80, s29  }
0x1c2: {  	v2 =	vld.idx.msk [tilespmem:v0+s30+$0xFFFFFFD0 ss:$0x1], $0xffff;
	p0 =	slt.u32 s29, $0x380  }
0x1c3: {  	v3 =	vld.idx.msk [tilespmem:v0+s30+$0xFFFFFFE0 ss:$0x1], $0xffff  }
0x1c4: {  	v4 =	vld.idx.msk [tilespmem:v0+s30+$0xFFFFFFF0 ss:$0x1], $0xffff  }
0x1c5: {  	s28 =	sadd.s32 $0x400, s28;
	v5 =	vld.idx.msk [tilespmem:v0+s30+$0x0 ss:$0x1], $0xffff  }
0x1c6: {  	s31 =	sadd.s32 s26, s28;
	v6 =	vld.idx.msk [tilespmem:v0+s30+$0x10 ss:$0x1], $0xffff  }
0x1c7: {  	[tilespmem:s31+$0x70] =	vst.add.f32.msk $0xffff, v1  }
0x1c8: {  	v1 =	vld.idx.msk [tilespmem:v0+s30+$0x20 ss:$0x1], $0xffff  }
0x1c9: {  	v7 =	vld.idx.msk [tilespmem:v0+s30+$0xFFFFFFC0 ss:$0x1], $0xffff  }
0x1ca: {  	[tilespmem:s31+$0x10] =	vst.add.f32.msk $0xffff, v2  }
0x1cb: {  	[tilespmem:s31+$0x20] =	vst.add.f32.msk $0xffff, v3  }
.Ltmp14:
0x1cc: {  	[tilespmem:s31+$0x30] =	vst.add.f32.msk $0xffff, v4;
	(pc) =	sbr.rel @p0 .LBB2_31-.Ltmp14, $4  }
0x1cd: {  	[tilespmem:s31+$0x40] =	vst.add.f32.msk $0xffff, v5  }
0x1ce: {  	[tilespmem:s31+$0x50] =	vst.add.f32.msk $0xffff, v6  }
0x1cf: {  	[tilespmem:s31+$0x0] =	vst.add.f32.msk $0xffff, v7  }
0x1d0: {  	s30 =	sadd.s32 $0x400, s30;
	[tilespmem:s31+$0x60] =	vst.add.f32.msk $0xffff, v1  }
0x1d1: {  	s25 =	sadd.s32 $0x1, s25  }
0x1d2: {  	p0 =	sne.s32 s25, $0x10  }
.Ltmp15:
0x1d3: {  	_ = 	snop;
	(pc) =	sbr.rel @p0 .LBB2_30-.Ltmp15, $2  }
0x1d4: {  	_ =	sdelay $0x2  }
0x1d5: {  	s24 =	sadd.s32 $0x1, s24;
	s23 =	sadd.s32 $0x400, s23  }
0x1d6: {  	s23 =	simm.s32 $0x0;
	s24 =	rddreg [dreg:$0x16]  }
0x1d7: {  	[hbm4b:s24+s23] =	stream.linear.scatter [tilespmem:s10], [sflag:$0x5], $0x4000, $0x38;
	[tilespmem:$0x1C000] =	vst v63  }
0x1d8: {  	_ =	swait.ge [sflag:s16], $0x4000  }
0x1d9: {  	[sflag:s16] =	ssyncset.done $0x0  }
0x1da: {  	s31 =	rddreg [dreg:$0x18];
	[sflag:s16] =	ssyncadd.s32 $0xFFFFC000  }
0x1db: {  	[tilespmem:s9], [sflag:$0x1] =	stream.linear.gather [hbm4b:s31+s23], $0x4000, $0x38;
	[tilespmem:$0x1C000] =	vst v63  }
0x1dc: {  	_ =	swait.ge [sflag:s18], $0x4000  }
0x1dd: {  	[sflag:s18] =	ssyncset.done $0x0  }
0x1de: {  	s25 =	simm.s32 $0x0;
	s24 =	simm.s32 $0x0;
	[sflag:s18] =	ssyncadd.s32 $0xFFFFC000  }
.LBB2_34:
0x1df: {  	s26 =	sand.u32 $0x7, s24  }
0x1e0: {  	s26 =	sshll.u32 s26, $0x9  }
0x1e1: {  	s26 =	sshrl.u32 s26, $0x2  }
0x1e2: {  	v0 =	vmov s26;
	_ =	sdelay $0x2  }
0x1e3: {  	s28 =	sand.u32 $0x3FFFE000, s23  }
0x1e4: {  	s30 =	sor.u32 $0x40, s28  }
0x1e5: {  	v1 =	vld.idx.msk [tilespmem:v0+s30+$0x30 ss:$0x1], $0xffff  }
0x1e6: {  	v2 =	vld.idx.msk [tilespmem:v0+s30+$0xFFFFFFD0 ss:$0x1], $0xffff  }
0x1e7: {  	v3 =	vld.idx.msk [tilespmem:v0+s30+$0xFFFFFFE0 ss:$0x1], $0xffff  }
0x1e8: {  	v4 =	vld.idx.msk [tilespmem:v0+s30+$0xFFFFFFF0 ss:$0x1], $0xffff  }
0x1e9: {  	v5 =	vld.idx.msk [tilespmem:v0+s30+$0x0 ss:$0x1], $0xffff  }
0x1ea: {  	s28 =	sadd.s32 $0x18000, s28;
	v6 =	vld.idx.msk [tilespmem:v0+s30+$0x10 ss:$0x1], $0xffff  }
0x1eb: {  	s31 =	sadd.s32 s26, s28;
	v7 =	vld.idx.msk [tilespmem:v0+s30+$0xFFFFFFC0 ss:$0x1], $0xffff  }
0x1ec: {  	[tilespmem:s31+$0x70] =	vst.add.f32.msk $0xffff, v1  }
0x1ed: {  	v1 =	vld.idx.msk [tilespmem:v0+s30+$0x20 ss:$0x1], $0xffff  }
0x1ee: {  	[tilespmem:s31+$0x10] =	vst.add.f32.msk $0xffff, v2  }
0x1ef: {  	[tilespmem:s31+$0x20] =	vst.add.f32.msk $0xffff, v3  }
0x1f0: {  	[tilespmem:s31+$0x30] =	vst.add.f32.msk $0xffff, v4  }
0x1f1: {  	[tilespmem:s31+$0x40] =	vst.add.f32.msk $0xffff, v5  }
0x1f2: {  	[tilespmem:s31+$0x50] =	vst.add.f32.msk $0xffff, v6  }
0x1f3: {  	[tilespmem:s31+$0x0] =	vst.add.f32.msk $0xffff, v7  }
0x1f4: {  	s29 =	simm.s32 $0x0;
	s30 =	sadd.s32 $0x400, s30;
	[tilespmem:s31+$0x60] =	vst.add.f32.msk $0xffff, v1  }
.LBB2_35:
0x1f5: {  	v1 =	vld.idx.msk [tilespmem:v0+s30+$0x30 ss:$0x1], $0xffff;
	s29 =	sadd.s32 $0x80, s29  }
0x1f6: {  	v2 =	vld.idx.msk [tilespmem:v0+s30+$0xFFFFFFD0 ss:$0x1], $0xffff;
	p0 =	slt.u32 s29, $0x380  }
0x1f7: {  	v3 =	vld.idx.msk [tilespmem:v0+s30+$0xFFFFFFE0 ss:$0x1], $0xffff  }
0x1f8: {  	v4 =	vld.idx.msk [tilespmem:v0+s30+$0xFFFFFFF0 ss:$0x1], $0xffff  }
0x1f9: {  	s28 =	sadd.s32 $0x400, s28;
	v5 =	vld.idx.msk [tilespmem:v0+s30+$0x0 ss:$0x1], $0xffff  }
0x1fa: {  	s31 =	sadd.s32 s26, s28;
	v6 =	vld.idx.msk [tilespmem:v0+s30+$0x10 ss:$0x1], $0xffff  }
0x1fb: {  	[tilespmem:s31+$0x70] =	vst.add.f32.msk $0xffff, v1  }
0x1fc: {  	v1 =	vld.idx.msk [tilespmem:v0+s30+$0x20 ss:$0x1], $0xffff  }
0x1fd: {  	v7 =	vld.idx.msk [tilespmem:v0+s30+$0xFFFFFFC0 ss:$0x1], $0xffff  }
0x1fe: {  	[tilespmem:s31+$0x10] =	vst.add.f32.msk $0xffff, v2  }
0x1ff: {  	[tilespmem:s31+$0x20] =	vst.add.f32.msk $0xffff, v3  }
.Ltmp16:
0x200: {  	[tilespmem:s31+$0x30] =	vst.add.f32.msk $0xffff, v4;
	(pc) =	sbr.rel @p0 .LBB2_35-.Ltmp16, $4  }
0x201: {  	[tilespmem:s31+$0x40] =	vst.add.f32.msk $0xffff, v5  }
0x202: {  	[tilespmem:s31+$0x50] =	vst.add.f32.msk $0xffff, v6  }
0x203: {  	[tilespmem:s31+$0x0] =	vst.add.f32.msk $0xffff, v7  }
0x204: {  	s30 =	sadd.s32 $0x400, s30;
	[tilespmem:s31+$0x60] =	vst.add.f32.msk $0xffff, v1  }
0x205: {  	s25 =	sadd.s32 $0x1, s25  }
0x206: {  	p0 =	sne.s32 s25, $0x10  }
.Ltmp17:
0x207: {  	_ = 	snop;
	(pc) =	sbr.rel @p0 .LBB2_34-.Ltmp17, $2  }
0x208: {  	_ =	sdelay $0x2  }
0x209: {  	s24 =	sadd.s32 $0x1, s24;
	s23 =	sadd.s32 $0x400, s23  }
0x20a: {  	s23 =	simm.s32 $0x0;
	s24 =	rddreg [dreg:$0x17]  }
0x20b: {  	[hbm4b:s24+s23] =	stream.linear.scatter [tilespmem:s13], [sflag:$0x6], $0x4000, $0x38;
	[tilespmem:$0x1C000] =	vst v63  }
0x20c: {  	_ =	swait.ge [sflag:s19], $0x4000  }
0x20d: {  	[sflag:s19] =	ssyncset.done $0x0  }
0x20e: {  	s31 =	rddreg [dreg:$0x1a];
	[sflag:s19] =	ssyncadd.s32 $0xFFFFC000  }
0x20f: {  	[tilespmem:s10], [sflag:$0x2] =	stream.linear.gather [hbm4b:s31+s23], $0x4000, $0x38;
	[tilespmem:$0x1C000] =	vst v63  }
0x210: {  	_ =	swait.ge [sflag:s12], $0x4000  }
0x211: {  	[sflag:s12] =	ssyncset.done $0x0  }
0x212: {  	s25 =	simm.s32 $0x0;
	s24 =	simm.s32 $0x0;
	[sflag:s12] =	ssyncadd.s32 $0xFFFFC000  }
.LBB2_38:
0x213: {  	s26 =	sand.u32 $0x7, s24  }
0x214: {  	s26 =	sshll.u32 s26, $0x9  }
0x215: {  	s26 =	sshrl.u32 s26, $0x2  }
0x216: {  	v0 =	vmov s26;
	_ =	sdelay $0x2  }
0x217: {  	s28 =	sand.u32 $0x3FFFE000, s23  }
0x218: {  	s30 =	sadd.s32 $0x4040, s28  }
0x219: {  	v1 =	vld.idx.msk [tilespmem:v0+s30+$0x30 ss:$0x1], $0xffff  }
0x21a: {  	v2 =	vld.idx.msk [tilespmem:v0+s30+$0xFFFFFFD0 ss:$0x1], $0xffff  }
0x21b: {  	v3 =	vld.idx.msk [tilespmem:v0+s30+$0xFFFFFFE0 ss:$0x1], $0xffff  }
0x21c: {  	v4 =	vld.idx.msk [tilespmem:v0+s30+$0xFFFFFFF0 ss:$0x1], $0xffff  }
0x21d: {  	v5 =	vld.idx.msk [tilespmem:v0+s30+$0x0 ss:$0x1], $0xffff  }
0x21e: {  	s28 =	sadd.s32 $0x10000, s28;
	v6 =	vld.idx.msk [tilespmem:v0+s30+$0x10 ss:$0x1], $0xffff  }
0x21f: {  	s31 =	sadd.s32 s26, s28;
	v7 =	vld.idx.msk [tilespmem:v0+s30+$0xFFFFFFC0 ss:$0x1], $0xffff  }
0x220: {  	[tilespmem:s31+$0x70] =	vst.add.f32.msk $0xffff, v1  }
0x221: {  	v1 =	vld.idx.msk [tilespmem:v0+s30+$0x20 ss:$0x1], $0xffff  }
0x222: {  	[tilespmem:s31+$0x10] =	vst.add.f32.msk $0xffff, v2  }
0x223: {  	[tilespmem:s31+$0x20] =	vst.add.f32.msk $0xffff, v3  }
0x224: {  	[tilespmem:s31+$0x30] =	vst.add.f32.msk $0xffff, v4  }
0x225: {  	[tilespmem:s31+$0x40] =	vst.add.f32.msk $0xffff, v5  }
0x226: {  	[tilespmem:s31+$0x50] =	vst.add.f32.msk $0xffff, v6  }
0x227: {  	[tilespmem:s31+$0x0] =	vst.add.f32.msk $0xffff, v7  }
0x228: {  	s29 =	simm.s32 $0x0;
	s30 =	sadd.s32 $0x400, s30;
	[tilespmem:s31+$0x60] =	vst.add.f32.msk $0xffff, v1  }
.LBB2_39:
0x229: {  	v1 =	vld.idx.msk [tilespmem:v0+s30+$0x30 ss:$0x1], $0xffff;
	s29 =	sadd.s32 $0x80, s29  }
0x22a: {  	v2 =	vld.idx.msk [tilespmem:v0+s30+$0xFFFFFFD0 ss:$0x1], $0xffff;
	p0 =	slt.u32 s29, $0x380  }
0x22b: {  	v3 =	vld.idx.msk [tilespmem:v0+s30+$0xFFFFFFE0 ss:$0x1], $0xffff  }
0x22c: {  	v4 =	vld.idx.msk [tilespmem:v0+s30+$0xFFFFFFF0 ss:$0x1], $0xffff  }
0x22d: {  	s28 =	sadd.s32 $0x400, s28;
	v5 =	vld.idx.msk [tilespmem:v0+s30+$0x0 ss:$0x1], $0xffff  }
0x22e: {  	s31 =	sadd.s32 s26, s28;
	v6 =	vld.idx.msk [tilespmem:v0+s30+$0x10 ss:$0x1], $0xffff  }
0x22f: {  	[tilespmem:s31+$0x70] =	vst.add.f32.msk $0xffff, v1  }
0x230: {  	v1 =	vld.idx.msk [tilespmem:v0+s30+$0x20 ss:$0x1], $0xffff  }
0x231: {  	v7 =	vld.idx.msk [tilespmem:v0+s30+$0xFFFFFFC0 ss:$0x1], $0xffff  }
0x232: {  	[tilespmem:s31+$0x10] =	vst.add.f32.msk $0xffff, v2  }
0x233: {  	[tilespmem:s31+$0x20] =	vst.add.f32.msk $0xffff, v3  }
.Ltmp18:
0x234: {  	[tilespmem:s31+$0x30] =	vst.add.f32.msk $0xffff, v4;
	(pc) =	sbr.rel @p0 .LBB2_39-.Ltmp18, $4  }
0x235: {  	[tilespmem:s31+$0x40] =	vst.add.f32.msk $0xffff, v5  }
0x236: {  	[tilespmem:s31+$0x50] =	vst.add.f32.msk $0xffff, v6  }
0x237: {  	[tilespmem:s31+$0x0] =	vst.add.f32.msk $0xffff, v7  }
0x238: {  	s30 =	sadd.s32 $0x400, s30;
	[tilespmem:s31+$0x60] =	vst.add.f32.msk $0xffff, v1  }
0x239: {  	s25 =	sadd.s32 $0x1, s25  }
0x23a: {  	p0 =	sne.s32 s25, $0x10  }
.Ltmp19:
0x23b: {  	_ = 	snop;
	(pc) =	sbr.rel @p0 .LBB2_38-.Ltmp19, $2  }
0x23c: {  	_ =	sdelay $0x2  }
0x23d: {  	s24 =	sadd.s32 $0x1, s24;
	s23 =	sadd.s32 $0x400, s23  }
0x23e: {  	s23 =	simm.s32 $0x0;
	s24 =	rddreg [dreg:$0x19]  }
0x23f: {  	[hbm4b:s24+s23] =	stream.linear.scatter [tilespmem:s9], [sflag:$0x4], $0x4000, $0x38;
	[tilespmem:$0x1C000] =	vst v63  }
0x240: {  	_ =	swait.ge [sflag:s21], $0x4000  }
0x241: {  	[sflag:s21] =	ssyncset.done $0x0  }
0x242: {  	s31 =	rddreg [dreg:$0x1c];
	[sflag:s21] =	ssyncadd.s32 $0xFFFFC000  }
0x243: {  	[tilespmem:s13], [sflag:$0x3] =	stream.linear.gather [hbm4b:s31+s23], $0x4000, $0x38;
	[tilespmem:$0x1C000] =	vst v63  }
0x244: {  	_ =	swait.ge [sflag:s15], $0x4000  }
0x245: {  	[sflag:s15] =	ssyncset.done $0x0  }
0x246: {  	s25 =	simm.s32 $0x0;
	s24 =	simm.s32 $0x0;
	[sflag:s15] =	ssyncadd.s32 $0xFFFFC000  }
.LBB2_42:
0x247: {  	s26 =	sand.u32 $0x7, s24  }
0x248: {  	s26 =	sshll.u32 s26, $0x9  }
0x249: {  	s26 =	sshrl.u32 s26, $0x2  }
0x24a: {  	v0 =	vmov s26;
	_ =	sdelay $0x2  }
0x24b: {  	s28 =	sand.u32 $0x3FFFE000, s23  }
0x24c: {  	s30 =	sadd.s32 $0x8040, s28  }
0x24d: {  	v1 =	vld.idx.msk [tilespmem:v0+s30+$0x30 ss:$0x1], $0xffff  }
0x24e: {  	v2 =	vld.idx.msk [tilespmem:v0+s30+$0xFFFFFFD0 ss:$0x1], $0xffff  }
0x24f: {  	v3 =	vld.idx.msk [tilespmem:v0+s30+$0xFFFFFFE0 ss:$0x1], $0xffff  }
0x250: {  	v4 =	vld.idx.msk [tilespmem:v0+s30+$0xFFFFFFF0 ss:$0x1], $0xffff  }
0x251: {  	v5 =	vld.idx.msk [tilespmem:v0+s30+$0x0 ss:$0x1], $0xffff  }
0x252: {  	s28 =	sadd.s32 $0x14000, s28;
	v6 =	vld.idx.msk [tilespmem:v0+s30+$0x10 ss:$0x1], $0xffff  }
0x253: {  	s31 =	sadd.s32 s26, s28;
	v7 =	vld.idx.msk [tilespmem:v0+s30+$0xFFFFFFC0 ss:$0x1], $0xffff  }
0x254: {  	[tilespmem:s31+$0x70] =	vst.add.f32.msk $0xffff, v1  }
0x255: {  	v1 =	vld.idx.msk [tilespmem:v0+s30+$0x20 ss:$0x1], $0xffff  }
0x256: {  	[tilespmem:s31+$0x10] =	vst.add.f32.msk $0xffff, v2  }
0x257: {  	[tilespmem:s31+$0x20] =	vst.add.f32.msk $0xffff, v3  }
0x258: {  	[tilespmem:s31+$0x30] =	vst.add.f32.msk $0xffff, v4  }
0x259: {  	[tilespmem:s31+$0x40] =	vst.add.f32.msk $0xffff, v5  }
0x25a: {  	[tilespmem:s31+$0x50] =	vst.add.f32.msk $0xffff, v6  }
0x25b: {  	[tilespmem:s31+$0x0] =	vst.add.f32.msk $0xffff, v7  }
0x25c: {  	s29 =	simm.s32 $0x0;
	s30 =	sadd.s32 $0x400, s30;
	[tilespmem:s31+$0x60] =	vst.add.f32.msk $0xffff, v1  }
.LBB2_43:
0x25d: {  	v1 =	vld.idx.msk [tilespmem:v0+s30+$0x30 ss:$0x1], $0xffff;
	s29 =	sadd.s32 $0x80, s29  }
0x25e: {  	v2 =	vld.idx.msk [tilespmem:v0+s30+$0xFFFFFFD0 ss:$0x1], $0xffff;
	p0 =	slt.u32 s29, $0x380  }
0x25f: {  	v3 =	vld.idx.msk [tilespmem:v0+s30+$0xFFFFFFE0 ss:$0x1], $0xffff  }
0x260: {  	v4 =	vld.idx.msk [tilespmem:v0+s30+$0xFFFFFFF0 ss:$0x1], $0xffff  }
0x261: {  	s28 =	sadd.s32 $0x400, s28;
	v5 =	vld.idx.msk [tilespmem:v0+s30+$0x0 ss:$0x1], $0xffff  }
0x262: {  	s31 =	sadd.s32 s26, s28;
	v6 =	vld.idx.msk [tilespmem:v0+s30+$0x10 ss:$0x1], $0xffff  }
0x263: {  	[tilespmem:s31+$0x70] =	vst.add.f32.msk $0xffff, v1  }
0x264: {  	v1 =	vld.idx.msk [tilespmem:v0+s30+$0x20 ss:$0x1], $0xffff  }
0x265: {  	v7 =	vld.idx.msk [tilespmem:v0+s30+$0xFFFFFFC0 ss:$0x1], $0xffff  }
0x266: {  	[tilespmem:s31+$0x10] =	vst.add.f32.msk $0xffff, v2  }
0x267: {  	[tilespmem:s31+$0x20] =	vst.add.f32.msk $0xffff, v3  }
.Ltmp20:
0x268: {  	[tilespmem:s31+$0x30] =	vst.add.f32.msk $0xffff, v4;
	(pc) =	sbr.rel @p0 .LBB2_43-.Ltmp20, $4  }
0x269: {  	[tilespmem:s31+$0x40] =	vst.add.f32.msk $0xffff, v5  }
0x26a: {  	[tilespmem:s31+$0x50] =	vst.add.f32.msk $0xffff, v6  }
0x26b: {  	[tilespmem:s31+$0x0] =	vst.add.f32.msk $0xffff, v7  }
0x26c: {  	s30 =	sadd.s32 $0x400, s30;
	[tilespmem:s31+$0x60] =	vst.add.f32.msk $0xffff, v1  }
0x26d: {  	s25 =	sadd.s32 $0x1, s25  }
0x26e: {  	p0 =	sne.s32 s25, $0x10  }
.Ltmp21:
0x26f: {  	_ = 	snop;
	(pc) =	sbr.rel @p0 .LBB2_42-.Ltmp21, $2  }
0x270: {  	_ =	sdelay $0x2  }
0x271: {  	s24 =	sadd.s32 $0x1, s24;
	s23 =	sadd.s32 $0x400, s23  }
0x272: {  	s23 =	simm.s32 $0x0;
	s24 =	rddreg [dreg:$0x1b]  }
0x273: {  	[hbm4b:s24+s23] =	stream.linear.scatter [tilespmem:s10], [sflag:$0x5], $0x4000, $0x38;
	[tilespmem:$0x1C000] =	vst v63  }
0x274: {  	_ =	swait.ge [sflag:s16], $0x4000  }
0x275: {  	[sflag:s16] =	ssyncset.done $0x0  }
0x276: {  	s31 =	rddreg [dreg:$0x1e];
	[sflag:s16] =	ssyncadd.s32 $0xFFFFC000  }
0x277: {  	[tilespmem:s9], [sflag:$0x1] =	stream.linear.gather [hbm4b:s31+s23], $0x4000, $0x38;
	[tilespmem:$0x1C000] =	vst v63  }
0x278: {  	_ =	swait.ge [sflag:s18], $0x4000  }
0x279: {  	[sflag:s18] =	ssyncset.done $0x0  }
0x27a: {  	s25 =	simm.s32 $0x0;
	s24 =	simm.s32 $0x0;
	[sflag:s18] =	ssyncadd.s32 $0xFFFFC000  }
.LBB2_46:
0x27b: {  	s26 =	sand.u32 $0x7, s24  }
0x27c: {  	s26 =	sshll.u32 s26, $0x9  }
0x27d: {  	s26 =	sshrl.u32 s26, $0x2  }
0x27e: {  	v0 =	vmov s26;
	_ =	sdelay $0x2  }
0x27f: {  	s28 =	sand.u32 $0x3FFFE000, s23  }
0x280: {  	s30 =	sadd.s32 $0xC040, s28  }
0x281: {  	v1 =	vld.idx.msk [tilespmem:v0+s30+$0x30 ss:$0x1], $0xffff  }
0x282: {  	v2 =	vld.idx.msk [tilespmem:v0+s30+$0xFFFFFFD0 ss:$0x1], $0xffff  }
0x283: {  	v3 =	vld.idx.msk [tilespmem:v0+s30+$0xFFFFFFE0 ss:$0x1], $0xffff  }
0x284: {  	v4 =	vld.idx.msk [tilespmem:v0+s30+$0xFFFFFFF0 ss:$0x1], $0xffff  }
0x285: {  	v5 =	vld.idx.msk [tilespmem:v0+s30+$0x0 ss:$0x1], $0xffff  }
0x286: {  	s28 =	sadd.s32 $0x18000, s28;
	v6 =	vld.idx.msk [tilespmem:v0+s30+$0x10 ss:$0x1], $0xffff  }
0x287: {  	s31 =	sadd.s32 s26, s28;
	v7 =	vld.idx.msk [tilespmem:v0+s30+$0xFFFFFFC0 ss:$0x1], $0xffff  }
0x288: {  	[tilespmem:s31+$0x70] =	vst.add.f32.msk $0xffff, v1  }
0x289: {  	v1 =	vld.idx.msk [tilespmem:v0+s30+$0x20 ss:$0x1], $0xffff  }
0x28a: {  	[tilespmem:s31+$0x10] =	vst.add.f32.msk $0xffff, v2  }
0x28b: {  	[tilespmem:s31+$0x20] =	vst.add.f32.msk $0xffff, v3  }
0x28c: {  	[tilespmem:s31+$0x30] =	vst.add.f32.msk $0xffff, v4  }
0x28d: {  	[tilespmem:s31+$0x40] =	vst.add.f32.msk $0xffff, v5  }
0x28e: {  	[tilespmem:s31+$0x50] =	vst.add.f32.msk $0xffff, v6  }
0x28f: {  	[tilespmem:s31+$0x0] =	vst.add.f32.msk $0xffff, v7  }
0x290: {  	s29 =	simm.s32 $0x0;
	s30 =	sadd.s32 $0x400, s30;
	[tilespmem:s31+$0x60] =	vst.add.f32.msk $0xffff, v1  }
.LBB2_47:
0x291: {  	v1 =	vld.idx.msk [tilespmem:v0+s30+$0x30 ss:$0x1], $0xffff;
	s29 =	sadd.s32 $0x80, s29  }
0x292: {  	v2 =	vld.idx.msk [tilespmem:v0+s30+$0xFFFFFFD0 ss:$0x1], $0xffff;
	p0 =	slt.u32 s29, $0x380  }
0x293: {  	v3 =	vld.idx.msk [tilespmem:v0+s30+$0xFFFFFFE0 ss:$0x1], $0xffff  }
0x294: {  	v4 =	vld.idx.msk [tilespmem:v0+s30+$0xFFFFFFF0 ss:$0x1], $0xffff  }
0x295: {  	s28 =	sadd.s32 $0x400, s28;
	v5 =	vld.idx.msk [tilespmem:v0+s30+$0x0 ss:$0x1], $0xffff  }
0x296: {  	s31 =	sadd.s32 s26, s28;
	v6 =	vld.idx.msk [tilespmem:v0+s30+$0x10 ss:$0x1], $0xffff  }
0x297: {  	[tilespmem:s31+$0x70] =	vst.add.f32.msk $0xffff, v1  }
0x298: {  	v1 =	vld.idx.msk [tilespmem:v0+s30+$0x20 ss:$0x1], $0xffff  }
0x299: {  	v7 =	vld.idx.msk [tilespmem:v0+s30+$0xFFFFFFC0 ss:$0x1], $0xffff  }
0x29a: {  	[tilespmem:s31+$0x10] =	vst.add.f32.msk $0xffff, v2  }
0x29b: {  	[tilespmem:s31+$0x20] =	vst.add.f32.msk $0xffff, v3  }
.Ltmp22:
0x29c: {  	[tilespmem:s31+$0x30] =	vst.add.f32.msk $0xffff, v4;
	(pc) =	sbr.rel @p0 .LBB2_47-.Ltmp22, $4  }
0x29d: {  	[tilespmem:s31+$0x40] =	vst.add.f32.msk $0xffff, v5  }
0x29e: {  	[tilespmem:s31+$0x50] =	vst.add.f32.msk $0xffff, v6  }
0x29f: {  	[tilespmem:s31+$0x0] =	vst.add.f32.msk $0xffff, v7  }
0x2a0: {  	s30 =	sadd.s32 $0x400, s30;
	[tilespmem:s31+$0x60] =	vst.add.f32.msk $0xffff, v1  }
0x2a1: {  	s25 =	sadd.s32 $0x1, s25  }
0x2a2: {  	p0 =	sne.s32 s25, $0x10  }
.Ltmp23:
0x2a3: {  	_ = 	snop;
	(pc) =	sbr.rel @p0 .LBB2_46-.Ltmp23, $2  }
0x2a4: {  	_ =	sdelay $0x2  }
0x2a5: {  	s24 =	sadd.s32 $0x1, s24;
	s23 =	sadd.s32 $0x400, s23  }
0x2a6: {  	s23 =	simm.s32 $0x0;
	s24 =	rddreg [dreg:$0x1d]  }
0x2a7: {  	[hbm4b:s24+s23] =	stream.linear.scatter [tilespmem:s13], [sflag:$0x6], $0x4000, $0x38;
	[tilespmem:$0x1C000] =	vst v63  }
0x2a8: {  	_ =	swait.ge [sflag:s19], $0x4000  }
0x2a9: {  	s31 =	sld [smem:$0x7FD]  }
0x2aa: {  	[sflag:s19] =	ssyncset.done $0x0  }
0x2ab: {  	[sflag:s19] =	ssyncadd.s32 $0xFFFFC000  }
0x2ac: {  	[tilespmem:s10], [sflag:$0x2] =	stream.linear.gather [hbm4b:s31+s23], $0x4000, $0x38;
	[tilespmem:$0x1C000] =	vst v63  }
0x2ad: {  	_ =	swait.ge [sflag:s12], $0x4000  }
0x2ae: {  	[sflag:s12] =	ssyncset.done $0x0  }
0x2af: {  	s25 =	simm.s32 $0x0;
	s24 =	simm.s32 $0x0;
	[sflag:s12] =	ssyncadd.s32 $0xFFFFC000  }
.LBB2_50:
0x2b0: {  	s26 =	sand.u32 $0x7, s24  }
0x2b1: {  	s26 =	sshll.u32 s26, $0x9  }
0x2b2: {  	s26 =	sshrl.u32 s26, $0x2  }
0x2b3: {  	v0 =	vmov s26;
	_ =	sdelay $0x2  }
0x2b4: {  	s28 =	sand.u32 $0x3FFFE000, s23  }
0x2b5: {  	s30 =	sor.u32 $0x40, s28  }
0x2b6: {  	v1 =	vld.idx.msk [tilespmem:v0+s30+$0x30 ss:$0x1], $0xffff  }
0x2b7: {  	v2 =	vld.idx.msk [tilespmem:v0+s30+$0xFFFFFFD0 ss:$0x1], $0xffff  }
0x2b8: {  	v3 =	vld.idx.msk [tilespmem:v0+s30+$0xFFFFFFE0 ss:$0x1], $0xffff  }
0x2b9: {  	v4 =	vld.idx.msk [tilespmem:v0+s30+$0xFFFFFFF0 ss:$0x1], $0xffff  }
0x2ba: {  	v5 =	vld.idx.msk [tilespmem:v0+s30+$0x0 ss:$0x1], $0xffff  }
0x2bb: {  	s28 =	sadd.s32 $0x10000, s28;
	v6 =	vld.idx.msk [tilespmem:v0+s30+$0x10 ss:$0x1], $0xffff  }
0x2bc: {  	s31 =	sadd.s32 s26, s28;
	v7 =	vld.idx.msk [tilespmem:v0+s30+$0xFFFFFFC0 ss:$0x1], $0xffff  }
0x2bd: {  	[tilespmem:s31+$0x70] =	vst.add.f32.msk $0xffff, v1  }
0x2be: {  	v1 =	vld.idx.msk [tilespmem:v0+s30+$0x20 ss:$0x1], $0xffff  }
0x2bf: {  	[tilespmem:s31+$0x10] =	vst.add.f32.msk $0xffff, v2  }
0x2c0: {  	[tilespmem:s31+$0x20] =	vst.add.f32.msk $0xffff, v3  }
0x2c1: {  	[tilespmem:s31+$0x30] =	vst.add.f32.msk $0xffff, v4  }
0x2c2: {  	[tilespmem:s31+$0x40] =	vst.add.f32.msk $0xffff, v5  }
0x2c3: {  	[tilespmem:s31+$0x50] =	vst.add.f32.msk $0xffff, v6  }
0x2c4: {  	[tilespmem:s31+$0x0] =	vst.add.f32.msk $0xffff, v7  }
0x2c5: {  	s29 =	simm.s32 $0x0;
	s30 =	sadd.s32 $0x400, s30;
	[tilespmem:s31+$0x60] =	vst.add.f32.msk $0xffff, v1  }
.LBB2_51:
0x2c6: {  	v1 =	vld.idx.msk [tilespmem:v0+s30+$0x30 ss:$0x1], $0xffff;
	s29 =	sadd.s32 $0x80, s29  }
0x2c7: {  	v2 =	vld.idx.msk [tilespmem:v0+s30+$0xFFFFFFD0 ss:$0x1], $0xffff;
	p0 =	slt.u32 s29, $0x380  }
0x2c8: {  	v3 =	vld.idx.msk [tilespmem:v0+s30+$0xFFFFFFE0 ss:$0x1], $0xffff  }
0x2c9: {  	v4 =	vld.idx.msk [tilespmem:v0+s30+$0xFFFFFFF0 ss:$0x1], $0xffff  }
0x2ca: {  	s28 =	sadd.s32 $0x400, s28;
	v5 =	vld.idx.msk [tilespmem:v0+s30+$0x0 ss:$0x1], $0xffff  }
0x2cb: {  	s31 =	sadd.s32 s26, s28;
	v6 =	vld.idx.msk [tilespmem:v0+s30+$0x10 ss:$0x1], $0xffff  }
0x2cc: {  	[tilespmem:s31+$0x70] =	vst.add.f32.msk $0xffff, v1  }
0x2cd: {  	v1 =	vld.idx.msk [tilespmem:v0+s30+$0x20 ss:$0x1], $0xffff  }
0x2ce: {  	v7 =	vld.idx.msk [tilespmem:v0+s30+$0xFFFFFFC0 ss:$0x1], $0xffff  }
0x2cf: {  	[tilespmem:s31+$0x10] =	vst.add.f32.msk $0xffff, v2  }
0x2d0: {  	[tilespmem:s31+$0x20] =	vst.add.f32.msk $0xffff, v3  }
.Ltmp24:
0x2d1: {  	[tilespmem:s31+$0x30] =	vst.add.f32.msk $0xffff, v4;
	(pc) =	sbr.rel @p0 .LBB2_51-.Ltmp24, $4  }
0x2d2: {  	[tilespmem:s31+$0x40] =	vst.add.f32.msk $0xffff, v5  }
0x2d3: {  	[tilespmem:s31+$0x50] =	vst.add.f32.msk $0xffff, v6  }
0x2d4: {  	[tilespmem:s31+$0x0] =	vst.add.f32.msk $0xffff, v7  }
0x2d5: {  	s30 =	sadd.s32 $0x400, s30;
	[tilespmem:s31+$0x60] =	vst.add.f32.msk $0xffff, v1  }
0x2d6: {  	s25 =	sadd.s32 $0x1, s25  }
0x2d7: {  	p0 =	sne.s32 s25, $0x10  }
.Ltmp25:
0x2d8: {  	_ = 	snop;
	(pc) =	sbr.rel @p0 .LBB2_50-.Ltmp25, $2  }
0x2d9: {  	_ =	sdelay $0x2  }
0x2da: {  	s24 =	sadd.s32 $0x1, s24;
	s23 =	sadd.s32 $0x400, s23  }
0x2db: {  	s23 =	simm.s32 $0x0;
	s24 =	rddreg [dreg:$0x1f]  }
0x2dc: {  	[hbm4b:s24+s23] =	stream.linear.scatter [tilespmem:s9], [sflag:$0x4], $0x4000, $0x38;
	[tilespmem:$0x1C000] =	vst v63  }
0x2dd: {  	_ =	swait.ge [sflag:s21], $0x4000  }
0x2de: {  	[sflag:s21] =	ssyncset.done $0x0  }
0x2df: {  	[sflag:s21] =	ssyncadd.s32 $0xFFFFC000  }
0x2e0: {  	[tilespmem:s13], [sflag:$0x3] =	stream.linear.gather [hbm4b:s4+s23], $0x4000, $0x38;
	[tilespmem:$0x1C000] =	vst v63  }
0x2e1: {  	_ =	swait.ge [sflag:s15], $0x4000  }
0x2e2: {  	[sflag:s15] =	ssyncset.done $0x0  }
0x2e3: {  	s25 =	simm.s32 $0x0;
	s24 =	simm.s32 $0x0;
	[sflag:s15] =	ssyncadd.s32 $0xFFFFC000  }
.LBB2_54:
0x2e4: {  	s26 =	sand.u32 $0x7, s24  }
0x2e5: {  	s26 =	sshll.u32 s26, $0x9  }
0x2e6: {  	s26 =	sshrl.u32 s26, $0x2  }
0x2e7: {  	v0 =	vmov s26;
	_ =	sdelay $0x2  }
0x2e8: {  	s28 =	sand.u32 $0x3FFFE000, s23  }
0x2e9: {  	s30 =	sadd.s32 $0x4040, s28  }
0x2ea: {  	v1 =	vld.idx.msk [tilespmem:v0+s30+$0x30 ss:$0x1], $0xffff  }
0x2eb: {  	v2 =	vld.idx.msk [tilespmem:v0+s30+$0xFFFFFFD0 ss:$0x1], $0xffff  }
0x2ec: {  	v3 =	vld.idx.msk [tilespmem:v0+s30+$0xFFFFFFE0 ss:$0x1], $0xffff  }
0x2ed: {  	v4 =	vld.idx.msk [tilespmem:v0+s30+$0xFFFFFFF0 ss:$0x1], $0xffff  }
0x2ee: {  	v5 =	vld.idx.msk [tilespmem:v0+s30+$0x0 ss:$0x1], $0xffff  }
0x2ef: {  	s28 =	sadd.s32 $0x14000, s28;
	v6 =	vld.idx.msk [tilespmem:v0+s30+$0x10 ss:$0x1], $0xffff  }
0x2f0: {  	s31 =	sadd.s32 s26, s28;
	v7 =	vld.idx.msk [tilespmem:v0+s30+$0xFFFFFFC0 ss:$0x1], $0xffff  }
0x2f1: {  	[tilespmem:s31+$0x70] =	vst.add.f32.msk $0xffff, v1  }
0x2f2: {  	v1 =	vld.idx.msk [tilespmem:v0+s30+$0x20 ss:$0x1], $0xffff  }
0x2f3: {  	[tilespmem:s31+$0x10] =	vst.add.f32.msk $0xffff, v2  }
0x2f4: {  	[tilespmem:s31+$0x20] =	vst.add.f32.msk $0xffff, v3  }
0x2f5: {  	[tilespmem:s31+$0x30] =	vst.add.f32.msk $0xffff, v4  }
0x2f6: {  	[tilespmem:s31+$0x40] =	vst.add.f32.msk $0xffff, v5  }
0x2f7: {  	[tilespmem:s31+$0x50] =	vst.add.f32.msk $0xffff, v6  }
0x2f8: {  	[tilespmem:s31+$0x0] =	vst.add.f32.msk $0xffff, v7  }
0x2f9: {  	s29 =	simm.s32 $0x0;
	s30 =	sadd.s32 $0x400, s30;
	[tilespmem:s31+$0x60] =	vst.add.f32.msk $0xffff, v1  }
.LBB2_55:
0x2fa: {  	v1 =	vld.idx.msk [tilespmem:v0+s30+$0x30 ss:$0x1], $0xffff;
	s29 =	sadd.s32 $0x80, s29  }
0x2fb: {  	v2 =	vld.idx.msk [tilespmem:v0+s30+$0xFFFFFFD0 ss:$0x1], $0xffff;
	p0 =	slt.u32 s29, $0x380  }
0x2fc: {  	v3 =	vld.idx.msk [tilespmem:v0+s30+$0xFFFFFFE0 ss:$0x1], $0xffff  }
0x2fd: {  	v4 =	vld.idx.msk [tilespmem:v0+s30+$0xFFFFFFF0 ss:$0x1], $0xffff  }
0x2fe: {  	s28 =	sadd.s32 $0x400, s28;
	v5 =	vld.idx.msk [tilespmem:v0+s30+$0x0 ss:$0x1], $0xffff  }
0x2ff: {  	s31 =	sadd.s32 s26, s28;
	v6 =	vld.idx.msk [tilespmem:v0+s30+$0x10 ss:$0x1], $0xffff  }
0x300: {  	[tilespmem:s31+$0x70] =	vst.add.f32.msk $0xffff, v1  }
0x301: {  	v1 =	vld.idx.msk [tilespmem:v0+s30+$0x20 ss:$0x1], $0xffff  }
0x302: {  	v7 =	vld.idx.msk [tilespmem:v0+s30+$0xFFFFFFC0 ss:$0x1], $0xffff  }
0x303: {  	[tilespmem:s31+$0x10] =	vst.add.f32.msk $0xffff, v2  }
0x304: {  	[tilespmem:s31+$0x20] =	vst.add.f32.msk $0xffff, v3  }
.Ltmp26:
0x305: {  	[tilespmem:s31+$0x30] =	vst.add.f32.msk $0xffff, v4;
	(pc) =	sbr.rel @p0 .LBB2_55-.Ltmp26, $4  }
0x306: {  	[tilespmem:s31+$0x40] =	vst.add.f32.msk $0xffff, v5  }
0x307: {  	[tilespmem:s31+$0x50] =	vst.add.f32.msk $0xffff, v6  }
0x308: {  	[tilespmem:s31+$0x0] =	vst.add.f32.msk $0xffff, v7  }
0x309: {  	s30 =	sadd.s32 $0x400, s30;
	[tilespmem:s31+$0x60] =	vst.add.f32.msk $0xffff, v1  }
0x30a: {  	s25 =	sadd.s32 $0x1, s25  }
0x30b: {  	p0 =	sne.s32 s25, $0x10  }
.Ltmp27:
0x30c: {  	_ = 	snop;
	(pc) =	sbr.rel @p0 .LBB2_54-.Ltmp27, $2  }
0x30d: {  	_ =	sdelay $0x2  }
0x30e: {  	s24 =	sadd.s32 $0x1, s24;
	s23 =	sadd.s32 $0x400, s23  }
0x30f: {  	s23 =	simm.s32 $0x0  }
0x310: {  	[hbm4b:s0+s23] =	stream.linear.scatter [tilespmem:s10], [sflag:$0x5], $0x4000, $0x38;
	[tilespmem:$0x1C000] =	vst v63  }
0x311: {  	_ =	swait.ge [sflag:s16], $0x4000  }
0x312: {  	[sflag:s16] =	ssyncset.done $0x0  }
0x313: {  	[sflag:s16] =	ssyncadd.s32 $0xFFFFC000  }
0x314: {  	[tilespmem:s9], [sflag:$0x1] =	stream.linear.gather [hbm4b:s5+s23], $0x4000, $0x38;
	[tilespmem:$0x1C000] =	vst v63  }
0x315: {  	_ =	swait.ge [sflag:s18], $0x4000  }
0x316: {  	[sflag:s18] =	ssyncset.done $0x0  }
0x317: {  	s24 =	simm.s32 $0x0;
	s25 =	simm.s32 $0x0;
	[sflag:s18] =	ssyncadd.s32 $0xFFFFC000  }
.LBB2_58:
0x318: {  	s26 =	sand.u32 $0x7, s24  }
0x319: {  	s26 =	sshll.u32 s26, $0x9  }
0x31a: {  	s26 =	sshrl.u32 s26, $0x2  }
0x31b: {  	v0 =	vmov s26;
	_ =	sdelay $0x2  }
0x31c: {  	s28 =	sand.u32 $0x3FFFE000, s23  }
0x31d: {  	s30 =	sadd.s32 $0x8040, s28  }
0x31e: {  	v1 =	vld.idx.msk [tilespmem:v0+s30+$0x30 ss:$0x1], $0xffff  }
0x31f: {  	v2 =	vld.idx.msk [tilespmem:v0+s30+$0xFFFFFFD0 ss:$0x1], $0xffff  }
0x320: {  	v3 =	vld.idx.msk [tilespmem:v0+s30+$0xFFFFFFE0 ss:$0x1], $0xffff  }
0x321: {  	v4 =	vld.idx.msk [tilespmem:v0+s30+$0xFFFFFFF0 ss:$0x1], $0xffff  }
0x322: {  	v5 =	vld.idx.msk [tilespmem:v0+s30+$0x0 ss:$0x1], $0xffff  }
0x323: {  	s28 =	sadd.s32 $0x18000, s28;
	v6 =	vld.idx.msk [tilespmem:v0+s30+$0x10 ss:$0x1], $0xffff  }
0x324: {  	s31 =	sadd.s32 s26, s28;
	v7 =	vld.idx.msk [tilespmem:v0+s30+$0xFFFFFFC0 ss:$0x1], $0xffff  }
0x325: {  	[tilespmem:s31+$0x70] =	vst.add.f32.msk $0xffff, v1  }
0x326: {  	v1 =	vld.idx.msk [tilespmem:v0+s30+$0x20 ss:$0x1], $0xffff  }
0x327: {  	[tilespmem:s31+$0x10] =	vst.add.f32.msk $0xffff, v2  }
0x328: {  	[tilespmem:s31+$0x20] =	vst.add.f32.msk $0xffff, v3  }
0x329: {  	[tilespmem:s31+$0x30] =	vst.add.f32.msk $0xffff, v4  }
0x32a: {  	[tilespmem:s31+$0x40] =	vst.add.f32.msk $0xffff, v5  }
0x32b: {  	[tilespmem:s31+$0x50] =	vst.add.f32.msk $0xffff, v6  }
0x32c: {  	[tilespmem:s31+$0x0] =	vst.add.f32.msk $0xffff, v7  }
0x32d: {  	s29 =	simm.s32 $0x0;
	s30 =	sadd.s32 $0x400, s30;
	[tilespmem:s31+$0x60] =	vst.add.f32.msk $0xffff, v1  }
.LBB2_59:
0x32e: {  	v1 =	vld.idx.msk [tilespmem:v0+s30+$0x30 ss:$0x1], $0xffff;
	s29 =	sadd.s32 $0x80, s29  }
0x32f: {  	v2 =	vld.idx.msk [tilespmem:v0+s30+$0xFFFFFFD0 ss:$0x1], $0xffff;
	p0 =	slt.u32 s29, $0x380  }
0x330: {  	v3 =	vld.idx.msk [tilespmem:v0+s30+$0xFFFFFFE0 ss:$0x1], $0xffff  }
0x331: {  	v4 =	vld.idx.msk [tilespmem:v0+s30+$0xFFFFFFF0 ss:$0x1], $0xffff  }
0x332: {  	s28 =	sadd.s32 $0x400, s28;
	v5 =	vld.idx.msk [tilespmem:v0+s30+$0x0 ss:$0x1], $0xffff  }
0x333: {  	s31 =	sadd.s32 s26, s28;
	v6 =	vld.idx.msk [tilespmem:v0+s30+$0x10 ss:$0x1], $0xffff  }
0x334: {  	[tilespmem:s31+$0x70] =	vst.add.f32.msk $0xffff, v1  }
0x335: {  	v1 =	vld.idx.msk [tilespmem:v0+s30+$0x20 ss:$0x1], $0xffff  }
0x336: {  	v7 =	vld.idx.msk [tilespmem:v0+s30+$0xFFFFFFC0 ss:$0x1], $0xffff  }
0x337: {  	[tilespmem:s31+$0x10] =	vst.add.f32.msk $0xffff, v2  }
0x338: {  	[tilespmem:s31+$0x20] =	vst.add.f32.msk $0xffff, v3  }
.Ltmp28:
0x339: {  	[tilespmem:s31+$0x30] =	vst.add.f32.msk $0xffff, v4;
	(pc) =	sbr.rel @p0 .LBB2_59-.Ltmp28, $4  }
0x33a: {  	[tilespmem:s31+$0x40] =	vst.add.f32.msk $0xffff, v5  }
0x33b: {  	[tilespmem:s31+$0x50] =	vst.add.f32.msk $0xffff, v6  }
0x33c: {  	[tilespmem:s31+$0x0] =	vst.add.f32.msk $0xffff, v7  }
0x33d: {  	s30 =	sadd.s32 $0x400, s30;
	[tilespmem:s31+$0x60] =	vst.add.f32.msk $0xffff, v1  }
0x33e: {  	s25 =	sadd.s32 $0x1, s25  }
0x33f: {  	p0 =	sne.s32 s25, $0x10  }
.Ltmp29:
0x340: {  	_ = 	snop;
	(pc) =	sbr.rel @p0 .LBB2_58-.Ltmp29, $2  }
0x341: {  	_ =	sdelay $0x2  }
0x342: {  	s24 =	sadd.s32 $0x1, s24;
	s23 =	sadd.s32 $0x400, s23  }
0x343: {  	s23 =	simm.s32 $0x0  }
0x344: {  	[hbm4b:s6+s23] =	stream.linear.scatter [tilespmem:s13], [sflag:$0x6], $0x4000, $0x38;
	[tilespmem:$0x1C000] =	vst v63  }
0x345: {  	_ =	swait.ge [sflag:s12], $0x4000  }
0x346: {  	[sflag:s12] =	ssyncset.done $0x0  }
0x347: {  	s24 =	simm.s32 $0x0;
	s25 =	simm.s32 $0x0;
	[sflag:s12] =	ssyncadd.s32 $0xFFFFC000  }
.LBB2_62:
0x348: {  	s26 =	sand.u32 $0x7, s24  }
0x349: {  	s26 =	sshll.u32 s26, $0x9  }
0x34a: {  	s26 =	sshrl.u32 s26, $0x2  }
0x34b: {  	v0 =	vmov s26;
	_ =	sdelay $0x2  }
0x34c: {  	s28 =	sand.u32 $0x3FFFE000, s23  }
0x34d: {  	s30 =	sadd.s32 $0xC040, s28  }
0x34e: {  	v1 =	vld.idx.msk [tilespmem:v0+s30+$0x30 ss:$0x1], $0xffff  }
0x34f: {  	v2 =	vld.idx.msk [tilespmem:v0+s30+$0xFFFFFFD0 ss:$0x1], $0xffff  }
0x350: {  	v3 =	vld.idx.msk [tilespmem:v0+s30+$0xFFFFFFE0 ss:$0x1], $0xffff  }
0x351: {  	v4 =	vld.idx.msk [tilespmem:v0+s30+$0xFFFFFFF0 ss:$0x1], $0xffff  }
0x352: {  	v5 =	vld.idx.msk [tilespmem:v0+s30+$0x0 ss:$0x1], $0xffff  }
0x353: {  	s28 =	sadd.s32 $0x10000, s28;
	v6 =	vld.idx.msk [tilespmem:v0+s30+$0x10 ss:$0x1], $0xffff  }
0x354: {  	s31 =	sadd.s32 s26, s28;
	v7 =	vld.idx.msk [tilespmem:v0+s30+$0xFFFFFFC0 ss:$0x1], $0xffff  }
0x355: {  	[tilespmem:s31+$0x70] =	vst.add.f32.msk $0xffff, v1  }
0x356: {  	v1 =	vld.idx.msk [tilespmem:v0+s30+$0x20 ss:$0x1], $0xffff  }
0x357: {  	[tilespmem:s31+$0x10] =	vst.add.f32.msk $0xffff, v2  }
0x358: {  	[tilespmem:s31+$0x20] =	vst.add.f32.msk $0xffff, v3  }
0x359: {  	[tilespmem:s31+$0x30] =	vst.add.f32.msk $0xffff, v4  }
0x35a: {  	[tilespmem:s31+$0x40] =	vst.add.f32.msk $0xffff, v5  }
0x35b: {  	[tilespmem:s31+$0x50] =	vst.add.f32.msk $0xffff, v6  }
0x35c: {  	[tilespmem:s31+$0x0] =	vst.add.f32.msk $0xffff, v7  }
0x35d: {  	s29 =	simm.s32 $0x0;
	s30 =	sadd.s32 $0x400, s30;
	[tilespmem:s31+$0x60] =	vst.add.f32.msk $0xffff, v1  }
.LBB2_63:
0x35e: {  	v1 =	vld.idx.msk [tilespmem:v0+s30+$0x30 ss:$0x1], $0xffff;
	s29 =	sadd.s32 $0x80, s29  }
0x35f: {  	v2 =	vld.idx.msk [tilespmem:v0+s30+$0xFFFFFFD0 ss:$0x1], $0xffff;
	p0 =	slt.u32 s29, $0x380  }
0x360: {  	v3 =	vld.idx.msk [tilespmem:v0+s30+$0xFFFFFFE0 ss:$0x1], $0xffff  }
0x361: {  	v4 =	vld.idx.msk [tilespmem:v0+s30+$0xFFFFFFF0 ss:$0x1], $0xffff  }
0x362: {  	s28 =	sadd.s32 $0x400, s28;
	v5 =	vld.idx.msk [tilespmem:v0+s30+$0x0 ss:$0x1], $0xffff  }
0x363: {  	s31 =	sadd.s32 s26, s28;
	v6 =	vld.idx.msk [tilespmem:v0+s30+$0x10 ss:$0x1], $0xffff  }
0x364: {  	[tilespmem:s31+$0x70] =	vst.add.f32.msk $0xffff, v1  }
0x365: {  	v1 =	vld.idx.msk [tilespmem:v0+s30+$0x20 ss:$0x1], $0xffff  }
0x366: {  	v7 =	vld.idx.msk [tilespmem:v0+s30+$0xFFFFFFC0 ss:$0x1], $0xffff  }
0x367: {  	[tilespmem:s31+$0x10] =	vst.add.f32.msk $0xffff, v2  }
0x368: {  	[tilespmem:s31+$0x20] =	vst.add.f32.msk $0xffff, v3  }
.Ltmp30:
0x369: {  	[tilespmem:s31+$0x30] =	vst.add.f32.msk $0xffff, v4;
	(pc) =	sbr.rel @p0 .LBB2_63-.Ltmp30, $4  }
0x36a: {  	[tilespmem:s31+$0x40] =	vst.add.f32.msk $0xffff, v5  }
0x36b: {  	[tilespmem:s31+$0x50] =	vst.add.f32.msk $0xffff, v6  }
0x36c: {  	[tilespmem:s31+$0x0] =	vst.add.f32.msk $0xffff, v7  }
0x36d: {  	s30 =	sadd.s32 $0x400, s30;
	[tilespmem:s31+$0x60] =	vst.add.f32.msk $0xffff, v1  }
0x36e: {  	s25 =	sadd.s32 $0x1, s25  }
0x36f: {  	p0 =	sne.s32 s25, $0x10  }
.Ltmp31:
0x370: {  	_ = 	snop;
	(pc) =	sbr.rel @p0 .LBB2_62-.Ltmp31, $2  }
0x371: {  	_ =	sdelay $0x2  }
0x372: {  	s24 =	sadd.s32 $0x1, s24;
	s23 =	sadd.s32 $0x400, s23  }
0x373: {  	[hbm4b:s7+s1] =	stream.linear.scatter [tilespmem:s9], [sflag:$0x4], $0x4000, $0x38;
	[tilespmem:$0x1C000] =	vst v63  }
0x374: {  	_ =	swait.ge [sflag:s16], $0x4000  }
0x375: {  	[sflag:s16] =	ssyncset.done $0x0  }
0x376: {  	s22 =	sadd.s32 $0x1, s22;
	[sflag:s16] =	ssyncadd.s32 $0xFFFFC000  }
0x377: {  	p0 =	sne.s32 s22, s8;
	_ =	swait.ge [sflag:s19], $0x4000  }
.Ltmp32:
0x378: {  	[sflag:s19] =	ssyncset.done $0x0;
	(pc) =	sbr.rel @p0 .LBB2_1-.Ltmp32, $4  }
0x379: {  	[sflag:s19] =	ssyncadd.s32 $0xFFFFC000  }
0x37a: {  	_ =	swait.ge [sflag:s21], $0x4000  }
0x37b: {  	[sflag:s21] =	ssyncset.done $0x0  }
0x37c: {  	[sflag:s21] =	ssyncadd.s32 $0xFFFFC000  }
0x37d: {  	_ =	sfence.sel $0x180000  }
0x37e: {  	[bflag:$0x0] =	sbarrier.arrive $0xFFFF  }
0x37f: {  	_ =	strace $0x90000047  }
0x380: {  	s0 =	stileid.u32;
	[bflag:$0x2] =	sbarrier.arrive $0xFFFF  }
0x381: {  	p0 =	sne.s32 s0, $0x0;
	s0 =	rddreg [dreg:$0x3]  }
0x382: {  	s0 =	sadd.s32 @!p0 $0x100000, s0  }
0x383: {  	[sflag:s0] =	ssyncadd.tile.s32 @!p0 $0x1;
	_ =	shalt  }
.Lfunc_end2:
_tile_overlayer_lowered:
.L_overlay_start_2:
0x384: {  	(tag) =	ssettag $0x2  }
0x385: {  	s0 =	rddreg [dreg:$0x0];
	s2 =	stileid.u32  }
0x386: {  	s1 =	rddreg [dreg:$0x1];
	p0 =	sne.s32 s2, $0x0  }
0x387: {  	s3 =	rddreg [dreg:$0x2];
	[bflag:$0x3] =	sbarrier.arrive $0xFFFF;
	s2 =	simm.s32 @!p0 $0x1C0B  }
0x388: {  	[timem:s3], [sflag:s2] =	dma.local @!p0 [hbm:s0], s1  }
0x389: {  	s0 =	simm.s32 @!p0 $0xB  }
0x38a: {  	_ =	swait.ge @!p0 [sflag:s0], s1  }
0x38b: {  	s1 =	ssub.s32 @!p0 $0x0, s1;
	[sflag:s0] =	ssyncset.done @!p0 $0x0  }
0x38c: {  	[sflag:s0] =	ssyncadd.s32 @!p0 s1  }
0x38d: {  	[bflag:$0x3] =	sbarrier.arrive $0xFFFF  }
0x38e: {  	_ =	shalt  }

</sc_bundles>
